<compile_context>
chip_gen: v7x
topology: tpu7x:2x2x1
jax: 0.10.2.dev20260603
libtpu: 0.0.44.dev20260713+nightly
codegen_flags: <defaults>
</compile_context>

<pallas_src>
import functools

import jax
import jax.numpy as jnp
from jax import lax
from jax.experimental import pallas as pl
from jax.experimental.pallas import tpu as pltpu
from jax.experimental.pallas import tpu_sc as plsc

CHUNK = 80
GSPLIT = 5
NCORES = 2
NSUB = 16
LANES = 16

_MESH = plsc.VectorSubcoreMesh(core_axis_name="c", subcore_axis_name="s")


def _partition(nchunks, c, s):
    per_core = nchunks // NCORES
    base = per_core // NSUB
    rem = per_core - base * NSUB
    start = c * per_core + s * base + jnp.minimum(s, rem)
    count = base + jnp.where(s < rem, 1, 0).astype(jnp.int32)
    return start, count, base, (base + 1 if rem else base)


def _stage_idx(dst_buf, src_buf, j):
    for k in range(CHUNK // LANES):
        dst_buf[pl.ds(k * LANES, LANES)] = (
            src_buf[pl.ds(j * CHUNK + k * LANES, LANES)])


def _prefetch_slab(idx_hbm, idx_vmem, start, count, base):
    pltpu.sync_copy(idx_hbm.at[pl.ds(start * CHUNK, base * CHUNK)],
                    idx_vmem.at[pl.ds(0, base * CHUNK)])

    @pl.when(count > base)
    def _():
        pltpu.sync_copy(idx_hbm.at[pl.ds((start + base) * CHUNK, CHUNK)],
                        idx_vmem.at[pl.ds(base * CHUNK, CHUNK)])


def _deg_pallas(edges_flat, zeros_n, n, e):
    nchunks = e // CHUNK

    @functools.partial(
        pl.kernel,
        out_type=[jax.ShapeDtypeStruct((n,), jnp.float32),
                  jax.ShapeDtypeStruct((n,), jnp.float32)],
        mesh=_MESH,
        scratch_types=[
            pltpu.VMEM(((nchunks // NCORES // NSUB + 1) * CHUNK,), jnp.int32),
            pltpu.VMEM((CHUNK,), jnp.int32),
            pltpu.VMEM((CHUNK,), jnp.int32),
            pltpu.VMEM((CHUNK,), jnp.float32),
            pltpu.VMEM_SHARED((n,), jnp.float32),
            pltpu.SemaphoreType.DMA,
            pltpu.SemaphoreType.DMA,
        ],
    )
    def k(dst_hbm, z_hbm, deg_a, deg_b, idx_all, idv0, idv1, ones_v, acc,
          sem0, sem1):
        c = lax.axis_index("c")
        s = lax.axis_index("s")
        for i in range(CHUNK // LANES):
            ones_v[pl.ds(i * LANES, LANES)] = jnp.ones((LANES,), jnp.float32)

        @pl.when(s == 0)
        def _():
            pltpu.sync_copy(z_hbm, acc)

        start, count, base, maxc = _partition(nchunks, c, s)
        assert base >= 2
        _prefetch_slab(dst_hbm, idx_all, start + e // CHUNK, count, base)
        plsc.subcore_barrier()

        idvs = (idv0, idv1)
        sems = (sem0, sem1)

        def body(grp, carry):
            for p in range(2):
                j = grp * 2 + p

                @pl.when(j < count)
                def _(j=j, p=p):
                    @pl.when(j >= 2)
                    def _():
                        pltpu.make_async_copy(
                            ones_v, acc.at[idvs[p]], sems[p]).wait()

                    _stage_idx(idvs[p], idx_all, j)
                    pltpu.async_copy(ones_v, acc.at[idvs[p]], sems[p],
                                     add=True)
            return carry

        lax.fori_loop(0, (maxc + 1) // 2, body, 0)
        for p in range(2):
            pltpu.make_async_copy(ones_v, acc.at[idvs[p]], sems[p]).wait()
        plsc.subcore_barrier()

        @pl.when(s == 0)
        def _():
            @pl.when(c == 0)
            def _():
                pltpu.sync_copy(acc, deg_a)

            @pl.when(c == 1)
            def _():
                pltpu.sync_copy(acc, deg_b)

    return k(edges_flat, zeros_n)


def _gather_scatter_pallas(edges_flat, g, n, d, e):
    nchunks = e // CHUNK
    wb_blk = ((n // NSUB) // 8) * 8
    wb_tail = n - (NSUB - 1) * wb_blk

    @functools.partial(
        pl.kernel,
        out_type=[jax.ShapeDtypeStruct((n, d), jnp.float32),
                  jax.ShapeDtypeStruct((n, d), jnp.float32)],
        mesh=_MESH,
        scratch_types=[
            pltpu.VMEM(((nchunks // NCORES // NSUB + 1) * CHUNK,), jnp.int32),
            pltpu.VMEM((CHUNK,), jnp.int32),
            pltpu.VMEM((CHUNK,), jnp.int32),
            pltpu.VMEM((CHUNK,), jnp.int32),
            pltpu.VMEM((CHUNK, d), jnp.float32),
            pltpu.VMEM((CHUNK, d), jnp.float32),
            pltpu.VMEM((CHUNK, d), jnp.float32),
            pltpu.VMEM_SHARED((n, d), jnp.float32),
            pltpu.SemaphoreType.DMA,
            pltpu.SemaphoreType.DMA,
            pltpu.SemaphoreType.DMA,
            pltpu.SemaphoreType.DMA,
            pltpu.SemaphoreType.DMA,
            pltpu.SemaphoreType.DMA,
            pltpu.SemaphoreType.DMA,
            pltpu.SemaphoreType.DMA,
            pltpu.SemaphoreType.DMA,
        ],
    )
    def k(edges_hbm, g_hbm, out_a, out_b,
          ssl, dsb0, dsb1, dsb2, rows0, rows1, rows2, acc,
          sem_g0, sem_g1, sem_g2, sem_s0, sem_s1, sem_s2,
          sem_i0, sem_i1, sem_i2):
        c = lax.axis_index("c")
        s = lax.axis_index("s")

        @pl.when(s == 0)
        def _():
            pltpu.sync_copy(g_hbm, acc)

        start, count, base, maxc = _partition(nchunks, c, s)
        assert base >= 2

        dsb = (dsb0, dsb1, dsb2)
        rows = (rows0, rows1, rows2)
        sem_g = (sem_g0, sem_g1, sem_g2)
        sem_s = (sem_s0, sem_s1, sem_s2)
        sem_i = (sem_i0, sem_i1, sem_i2)

        def fetch_didx(j, p3):
            pltpu.async_copy(
                edges_hbm.at[pl.ds(e + (start + j) * CHUNK, CHUNK)],
                dsb[p3], sem_i[p3])

        def wait_didx(p3):
            pltpu.make_async_copy(edges_hbm.at[pl.ds(0, CHUNK)], dsb[p3],
                                  sem_i[p3]).wait()

        gs = CHUNK // GSPLIT

        def start_gather(j, m):
            for h in range(GSPLIT):
                pltpu.async_copy(
                    g_hbm.at[ssl.at[pl.ds(j * CHUNK + h * gs, gs)]],
                    rows[m].at[pl.ds(h * gs, gs)], sem_g[m])

        def wait_gather(j, m):
            for h in range(GSPLIT):
                pltpu.make_async_copy(
                    g_hbm.at[ssl.at[pl.ds(j * CHUNK + h * gs, gs)]],
                    rows[m].at[pl.ds(h * gs, gs)], sem_g[m]).wait()

        def start_scatter(m):
            pltpu.async_copy(rows[m], acc.at[dsb[m]], sem_s[m], add=True)

        def wait_scatter(m):
            pltpu.make_async_copy(rows[m], acc.at[dsb[m]], sem_s[m]).wait()

        _prefetch_slab(edges_hbm, ssl, start, count, base)
        fetch_didx(0, 0)
        fetch_didx(1, 1)
        plsc.subcore_barrier()
        start_gather(0, 0)
        start_gather(1, 1)

        def body(grp, carry):
            for u in range(3):
                j = grp * 3 + u
                m = u
                m2 = (u + 2) % 3

                @pl.when(j < count)
                def _(j=j, m=m, m2=m2):
                    @pl.when(j >= 1)
                    def _():
                        wait_scatter(m2)

                    @pl.when(j + 2 < count)
                    def _():
                        fetch_didx(j + 2, m2)
                        start_gather(j + 2, m2)

                    wait_gather(j, m)
                    wait_didx(m)
                    start_scatter(m)
            return carry

        lax.fori_loop(0, (maxc + 2) // 3, body, 0)
        last = count - 1
        for m in range(3):
            @pl.when(last % 3 == m)
            def _(m=m):
                wait_scatter(m)
        plsc.subcore_barrier()

        def _writeback(dst_hbm_out):
            @pl.when(s < NSUB - 1)
            def _():
                r0 = s * wb_blk
                pltpu.sync_copy(acc.at[pl.ds(r0, wb_blk)],
                                dst_hbm_out.at[pl.ds(r0, wb_blk)])

            @pl.when(s == NSUB - 1)
            def _():
                r0 = (NSUB - 1) * wb_blk
                pltpu.sync_copy(acc.at[pl.ds(r0, wb_tail)],
                                dst_hbm_out.at[pl.ds(r0, wb_tail)])

        @pl.when(c == 0)
        def _():
            _writeback(out_a)

        @pl.when(c == 1)
        def _():
            _writeback(out_b)

    return k(edges_flat, g)


def _matmul_pallas(x, W, n, d_in, d_out, rows_blk):
    def body(x_ref, w_ref, h_ref):
        h_ref[...] = jnp.dot(x_ref[...], w_ref[...],
                             preferred_element_type=jnp.float32)

    return pl.pallas_call(
        body,
        grid=(n // rows_blk,),
        in_specs=[
            pl.BlockSpec((rows_blk, d_in), lambda i: (i, 0)),
            pl.BlockSpec((d_in, d_out), lambda i: (0, 0)),
        ],
        out_specs=pl.BlockSpec((rows_blk, d_out), lambda i: (i, 0)),
        out_shape=jax.ShapeDtypeStruct((n, d_out), jnp.float32),
    )(x, W)


def _scale_pallas(h, deg2, n, d, rows_blk):
    def body(h_ref, dg_ref, g_ref):
        g_ref[...] = h_ref[...] * lax.rsqrt(1.0 + dg_ref[...])

    return pl.pallas_call(
        body,
        grid=(n // rows_blk,),
        in_specs=[
            pl.BlockSpec((rows_blk, d), lambda i: (i, 0)),
            pl.BlockSpec((rows_blk, 1), lambda i: (i, 0)),
        ],
        out_specs=pl.BlockSpec((rows_blk, d), lambda i: (i, 0)),
        out_shape=jax.ShapeDtypeStruct((n, d), jnp.float32),
    )(h, deg2)


def _finalize_pallas(out_a, out_b, g, deg2, bias, n, d, rows_blk):
    def body(a_ref, b2_ref, g_ref, dg_ref, bias_ref, o_ref):
        dsv = lax.rsqrt(1.0 + dg_ref[...])
        o_ref[...] = ((a_ref[...] + b2_ref[...] - g_ref[...]) * dsv
                      + bias_ref[...])

    return pl.pallas_call(
        body,
        grid=(n // rows_blk,),
        in_specs=[
            pl.BlockSpec((rows_blk, d), lambda i: (i, 0)),
            pl.BlockSpec((rows_blk, d), lambda i: (i, 0)),
            pl.BlockSpec((rows_blk, d), lambda i: (i, 0)),
            pl.BlockSpec((rows_blk, 1), lambda i: (i, 0)),
            pl.BlockSpec((1, d), lambda i: (0, 0)),
        ],
        out_specs=pl.BlockSpec((rows_blk, d), lambda i: (i, 0)),
        out_shape=jax.ShapeDtypeStruct((n, d), jnp.float32),
    )(out_a, out_b, g, deg2, bias)


def kernel(x, edge_index, W, b):
    n, d_in = x.shape
    d_out = W.shape[1]
    e = edge_index.shape[1]
    assert e % CHUNK == 0, e

    edges_flat = edge_index.reshape(2 * e)
    zeros_n = jnp.zeros((n,), jnp.float32)

    rows_blk = 1000 if n % 1000 == 0 else 8
    h = _matmul_pallas(x, W, n, d_in, d_out, rows_blk)
    deg_a, deg_b = _deg_pallas(edges_flat, zeros_n, n, e)
    deg2 = (deg_a + deg_b).reshape(n, 1)
    g = _scale_pallas(h, deg2, n, d_out, rows_blk)
    out_a, out_b = _gather_scatter_pallas(edges_flat, g, n, d_out, e)
    return _finalize_pallas(out_a, out_b, g, deg2, b.reshape(1, d_out),
                            n, d_out, rows_blk)

# --- scband reference (transcript-rebuilt; emitter-appended) ---
"""Pipeline reference for scband-na-aggregator-446676599408 (READ-ONLY COPY).

The authoritative reference and input builder live on the scoring server;
editing this copy changes nothing except your own understanding.
"""

import jax, jax.numpy as jnp
import numpy as np

N = 10000
E = 320000
D_IN = 128
D_OUT = 128


def setup_inputs(seed: int = 0) -> dict:
    key = jax.random.key(seed)
    k1, k2, k3 = jax.random.split(key, 3)
    x = jax.random.normal(k1, (N, D_IN), dtype=jnp.float32)
    edge_index = jax.random.randint(k2, (2, E), 0, N, dtype=jnp.int32)
    # GCNConv params: lin weight (no bias) + separate bias added after propagation
    W = jax.random.normal(k3, (D_IN, D_OUT), dtype=jnp.float32) * (1.0 / np.sqrt(D_IN))
    b = jnp.zeros((D_OUT,), dtype=jnp.float32)
    return {"x": x, "edge_index": edge_index, "W": W, "b": b}


def reference(x, edge_index, W, b):
    # Faithful PyG GCNConv: add self-loops, symmetric deg normalization,
    # linear transform, gather messages from src, scatter-add at dst, add bias.
    n = x.shape[0]
    loop = jnp.arange(n, dtype=edge_index.dtype)
    src = jnp.concatenate([edge_index[0], loop])
    dst = jnp.concatenate([edge_index[1], loop])
    deg = jnp.zeros((n,), dtype=x.dtype).at[dst].add(jnp.ones_like(src, dtype=x.dtype))
    deg_inv_sqrt = jnp.where(deg > 0, deg ** -0.5, 0.0)
    norm = deg_inv_sqrt[src] * deg_inv_sqrt[dst]
    h = x @ W
    msg = h[src] * norm[:, None]
    out = jnp.zeros((n, h.shape[1]), dtype=x.dtype).at[dst].add(msg)
    return out + b

if __name__ == "__main__":
    import jax
    _d = setup_inputs()
    print(jax.jit(kernel)(*tuple(_d.values())))

</pallas_src>

<mosaic_0001>
#map = affine_map<(d0, d1) -> (0)>
#map1 = affine_map<(d0, d1) -> (0, 0)>
module attributes {stable_mosaic.version = 14 : i64} {
  func.func @k(%arg0: i32, %arg1: i32, %arg2: memref<640000xi32, #tpu.memory_space<hbm>>, %arg3: memref<10000x128xf32, #tpu.memory_space<hbm>>, %arg4: memref<10000x128xf32, #tpu.memory_space<hbm>>, %arg5: memref<10000x128xf32, #tpu.memory_space<hbm>>, %arg6: memref<10080xi32, #tpu.memory_space<vmem>>, %arg7: memref<80xi32, #tpu.memory_space<vmem>>, %arg8: memref<80xi32, #tpu.memory_space<vmem>>, %arg9: memref<80xi32, #tpu.memory_space<vmem>>, %arg10: memref<80x128xf32, #tpu.memory_space<vmem>>, %arg11: memref<80x128xf32, #tpu.memory_space<vmem>>, %arg12: memref<80x128xf32, #tpu.memory_space<vmem>>, %arg13: memref<10000x128xf32, #tpu.memory_space<vmem_shared>>, %arg14: memref<!tpu.dma_semaphore, #tpu.memory_space<semaphore_mem>>, %arg15: memref<!tpu.dma_semaphore, #tpu.memory_space<semaphore_mem>>, %arg16: memref<!tpu.dma_semaphore, #tpu.memory_space<semaphore_mem>>, %arg17: memref<!tpu.dma_semaphore, #tpu.memory_space<semaphore_mem>>, %arg18: memref<!tpu.dma_semaphore, #tpu.memory_space<semaphore_mem>>, %arg19: memref<!tpu.dma_semaphore, #tpu.memory_space<semaphore_mem>>, %arg20: memref<!tpu.dma_semaphore, #tpu.memory_space<semaphore_mem>>, %arg21: memref<!tpu.dma_semaphore, #tpu.memory_space<semaphore_mem>>, %arg22: memref<!tpu.dma_semaphore, #tpu.memory_space<semaphore_mem>>) attributes {dimension_semantics = [#tpu.dimension_semantics<core_parallel>, #tpu.dimension_semantics<subcore_parallel>], iteration_bounds = array<i64: 2, 16>, scalar_prefetch = 0 : i64, scratch_operands = 17 : i64, tpu.core_type = #tpu.core_type<sc_vector_subcore>, window_params = [{transform_indices = #map}, {transform_indices = #map1}, {transform_indices = #map1}, {transform_indices = #map1}]} {
    %eq3A = arith.constant 0 : i32
    %eq3A_0 = arith.cmpi eq, %arg1, %eq3A : i32
    %convert_element_type3A = arith.extui %eq3A_0 : i1 to i32
    %cond3A = arith.constant 0 : i32
    %cond3A_1 = arith.cmpi ne, %convert_element_type3A, %cond3A : i32
    scf.if %cond3A_1 {
      "tpu.region"() ({
        %run_scoped3A = tpu.sem_alloc : memref<!tpu.dma_semaphore, #tpu.memory_space<semaphore_mem>>
        tpu.enqueue_dma source(%arg3 : memref<10000x128xf32, #tpu.memory_space<hbm>>) target(%arg13 : memref<10000x128xf32, #tpu.memory_space<vmem_shared>>) target_semaphore(%run_scoped3A : memref<!tpu.dma_semaphore, #tpu.memory_space<semaphore_mem>>)
        tpu.wait_dma2 semaphore(%run_scoped3A : memref<!tpu.dma_semaphore, #tpu.memory_space<semaphore_mem>>) src(%arg3 : memref<10000x128xf32, #tpu.memory_space<hbm>>) dst(%arg13 : memref<10000x128xf32, #tpu.memory_space<vmem_shared>>)
        tpu.yield
      }) : () -> ()
    } else {
    }
    %mul3A = arith.constant 2000 : i32
    %mul3A_2 = arith.muli %arg0, %mul3A : i32
    %mul3A_3 = arith.constant 125 : i32
    %mul3A_4 = arith.muli %arg1, %mul3A_3 : i32
    %add3A = arith.addi %mul3A_2, %mul3A_4 : i32
    %min3A = arith.constant 0 : i32
    %min3A_5 = arith.minsi %arg1, %min3A : i32
    %add3A_6 = arith.addi %add3A, %min3A_5 : i32
    %lt3A = arith.constant 0 : i32
    %lt3A_7 = arith.cmpi slt, %arg1, %lt3A : i32
    %jit3A = arith.constant 1 : i32
    %jit3A_8 = arith.constant 0 : i32
    %select_n3A = arith.select %lt3A_7, %jit3A, %jit3A_8 : i32
    %add3A_9 = arith.constant 125 : i32
    %add3A_10 = arith.addi %add3A_9, %select_n3A : i32
    %mul3A_11 = arith.constant 80 : i32
    %mul3A_12 = arith.muli %add3A_6, %mul3A_11 : i32
    "tpu.region"() ({
      %run_scoped3A = tpu.sem_alloc : memref<!tpu.dma_semaphore, #tpu.memory_space<semaphore_mem>>
      %dma_start3A_189 = arith.constant 0 : i32
      %dma_start3A_190 = tpu.memref_slice %arg6[%dma_start3A_189] : memref<10080xi32, #tpu.memory_space<vmem>> -> memref<10000xi32, #tpu.memory_space<vmem>>
      %dma_start3A_191 = tpu.memref_slice %arg2[%mul3A_12] : memref<640000xi32, #tpu.memory_space<hbm>> -> memref<10000xi32, #tpu.memory_space<hbm>>
      %dma_start3A_192 = arith.constant 0 : i32
      %dma_start3A_193 = tpu.memref_slice %arg6[%dma_start3A_192] : memref<10080xi32, #tpu.memory_space<vmem>> -> memref<10000xi32, #tpu.memory_space<vmem>>
      %dma_start3A_194 = tpu.memref_slice %arg2[%mul3A_12] : memref<640000xi32, #tpu.memory_space<hbm>> -> memref<10000xi32, #tpu.memory_space<hbm>>
      tpu.enqueue_dma source(%dma_start3A_194 : memref<10000xi32, #tpu.memory_space<hbm>>) target(%dma_start3A_193 : memref<10000xi32, #tpu.memory_space<vmem>>) target_semaphore(%run_scoped3A : memref<!tpu.dma_semaphore, #tpu.memory_space<semaphore_mem>>)
      %dma_wait3A = arith.constant 0 : i32
      %dma_wait3A_195 = tpu.memref_slice %arg6[%dma_wait3A] : memref<10080xi32, #tpu.memory_space<vmem>> -> memref<10000xi32, #tpu.memory_space<vmem>>
      %dma_wait3A_196 = tpu.memref_slice %arg2[%mul3A_12] : memref<640000xi32, #tpu.memory_space<hbm>> -> memref<10000xi32, #tpu.memory_space<hbm>>
      %dma_wait3A_197 = arith.constant 0 : i32
      %dma_wait3A_198 = tpu.memref_slice %arg6[%dma_wait3A_197] : memref<10080xi32, #tpu.memory_space<vmem>> -> memref<10000xi32, #tpu.memory_space<vmem>>
      %dma_wait3A_199 = tpu.memref_slice %arg2[%mul3A_12] : memref<640000xi32, #tpu.memory_space<hbm>> -> memref<10000xi32, #tpu.memory_space<hbm>>
      tpu.wait_dma2 semaphore(%run_scoped3A : memref<!tpu.dma_semaphore, #tpu.memory_space<semaphore_mem>>) src(%dma_wait3A_199 : memref<10000xi32, #tpu.memory_space<hbm>>) dst(%dma_wait3A_198 : memref<10000xi32, #tpu.memory_space<vmem>>)
      tpu.yield
    }) : () -> ()
    %gt3A = arith.constant 125 : i32
    %gt3A_13 = arith.cmpi sgt, %add3A_10, %gt3A : i32
    %convert_element_type3A_14 = arith.extui %gt3A_13 : i1 to i32
    %cond3A_15 = arith.constant 0 : i32
    %cond3A_16 = arith.cmpi ne, %convert_element_type3A_14, %cond3A_15 : i32
    scf.if %cond3A_16 {
      %add3A_189 = arith.constant 125 : i32
      %add3A_190 = arith.addi %add3A_6, %add3A_189 : i32
      %mul3A_191 = arith.constant 80 : i32
      %mul3A_192 = arith.muli %add3A_190, %mul3A_191 : i32
      "tpu.region"() ({
        %run_scoped3A = tpu.sem_alloc : memref<!tpu.dma_semaphore, #tpu.memory_space<semaphore_mem>>
        %dma_start3A_193 = arith.constant 10000 : i32
        %dma_start3A_194 = tpu.memref_slice %arg6[%dma_start3A_193] : memref<10080xi32, #tpu.memory_space<vmem>> -> memref<80xi32, #tpu.memory_space<vmem>>
        %dma_start3A_195 = tpu.memref_slice %arg2[%mul3A_192] : memref<640000xi32, #tpu.memory_space<hbm>> -> memref<80xi32, #tpu.memory_space<hbm>>
        %dma_start3A_196 = arith.constant 10000 : i32
        %dma_start3A_197 = tpu.memref_slice %arg6[%dma_start3A_196] : memref<10080xi32, #tpu.memory_space<vmem>> -> memref<80xi32, #tpu.memory_space<vmem>>
        %dma_start3A_198 = tpu.memref_slice %arg2[%mul3A_192] : memref<640000xi32, #tpu.memory_space<hbm>> -> memref<80xi32, #tpu.memory_space<hbm>>
        tpu.enqueue_dma source(%dma_start3A_198 : memref<80xi32, #tpu.memory_space<hbm>>) target(%dma_start3A_197 : memref<80xi32, #tpu.memory_space<vmem>>) target_semaphore(%run_scoped3A : memref<!tpu.dma_semaphore, #tpu.memory_space<semaphore_mem>>)
        %dma_wait3A = arith.constant 10000 : i32
        %dma_wait3A_199 = tpu.memref_slice %arg6[%dma_wait3A] : memref<10080xi32, #tpu.memory_space<vmem>> -> memref<80xi32, #tpu.memory_space<vmem>>
        %dma_wait3A_200 = tpu.memref_slice %arg2[%mul3A_192] : memref<640000xi32, #tpu.memory_space<hbm>> -> memref<80xi32, #tpu.memory_space<hbm>>
        %dma_wait3A_201 = arith.constant 10000 : i32
        %dma_wait3A_202 = tpu.memref_slice %arg6[%dma_wait3A_201] : memref<10080xi32, #tpu.memory_space<vmem>> -> memref<80xi32, #tpu.memory_space<vmem>>
        %dma_wait3A_203 = tpu.memref_slice %arg2[%mul3A_192] : memref<640000xi32, #tpu.memory_space<hbm>> -> memref<80xi32, #tpu.memory_space<hbm>>
        tpu.wait_dma2 semaphore(%run_scoped3A : memref<!tpu.dma_semaphore, #tpu.memory_space<semaphore_mem>>) src(%dma_wait3A_203 : memref<80xi32, #tpu.memory_space<hbm>>) dst(%dma_wait3A_202 : memref<80xi32, #tpu.memory_space<vmem>>)
        tpu.yield
      }) : () -> ()
    } else {
    }
    %add3A_17 = arith.constant 0 : i32
    %add3A_18 = arith.addi %add3A_6, %add3A_17 : i32
    %mul3A_19 = arith.constant 80 : i32
    %mul3A_20 = arith.muli %add3A_18, %mul3A_19 : i32
    %add3A_21 = arith.constant 320000 : i32
    %add3A_22 = arith.addi %add3A_21, %mul3A_20 : i32
    %dma_start3A = tpu.memref_slice %arg2[%add3A_22] : memref<640000xi32, #tpu.memory_space<hbm>> -> memref<80xi32, #tpu.memory_space<hbm>>
    %dma_start3A_23 = tpu.memref_slice %arg2[%add3A_22] : memref<640000xi32, #tpu.memory_space<hbm>> -> memref<80xi32, #tpu.memory_space<hbm>>
    tpu.enqueue_dma source(%dma_start3A_23 : memref<80xi32, #tpu.memory_space<hbm>>) target(%arg7 : memref<80xi32, #tpu.memory_space<vmem>>) target_semaphore(%arg20 : memref<!tpu.dma_semaphore, #tpu.memory_space<semaphore_mem>>)
    %add3A_24 = arith.constant 1 : i32
    %add3A_25 = arith.addi %add3A_6, %add3A_24 : i32
    %mul3A_26 = arith.constant 80 : i32
    %mul3A_27 = arith.muli %add3A_25, %mul3A_26 : i32
    %add3A_28 = arith.constant 320000 : i32
    %add3A_29 = arith.addi %add3A_28, %mul3A_27 : i32
    %dma_start3A_30 = tpu.memref_slice %arg2[%add3A_29] : memref<640000xi32, #tpu.memory_space<hbm>> -> memref<80xi32, #tpu.memory_space<hbm>>
    %dma_start3A_31 = tpu.memref_slice %arg2[%add3A_29] : memref<640000xi32, #tpu.memory_space<hbm>> -> memref<80xi32, #tpu.memory_space<hbm>>
    tpu.enqueue_dma source(%dma_start3A_31 : memref<80xi32, #tpu.memory_space<hbm>>) target(%arg8 : memref<80xi32, #tpu.memory_space<vmem>>) target_semaphore(%arg21 : memref<!tpu.dma_semaphore, #tpu.memory_space<semaphore_mem>>)
    %barrier3A = arith.constant 0 : index
    tpu.barrier barrier_id(%barrier3A)
    %dma_start3A_32 = arith.constant 0 : i32
    %dma_start3A_33 = arith.constant 0 : i32
    %dma_start3A_34 = tpu.memref_slice %arg10[%dma_start3A_32, %dma_start3A_33] : memref<80x128xf32, #tpu.memory_space<vmem>> -> memref<16x128xf32, #tpu.memory_space<vmem>>
    %dma_start3A_35 = arith.constant 0 : i32
    %dma_start3A_36 = tpu.memref_slice %arg6[%dma_start3A_35] : memref<10080xi32, #tpu.memory_space<vmem>> -> memref<16xi32, #tpu.memory_space<vmem>>
    %dma_start3A_37 = arith.constant 0 : i32
    %dma_start3A_38 = arith.constant 0 : i32
    %dma_start3A_39 = tpu.memref_slice %arg3[%dma_start3A_37, %dma_start3A_38] : memref<10000x128xf32, #tpu.memory_space<hbm>> -> memref<10000x128xf32, #tpu.memory_space<hbm>>
    tpu.enqueue_indirect_dma source(%dma_start3A_39 : memref<10000x128xf32, #tpu.memory_space<hbm>>) target(%dma_start3A_34 : memref<16x128xf32, #tpu.memory_space<vmem>>) offsets(%dma_start3A_36 : memref<16xi32, #tpu.memory_space<vmem>>) semaphore(%arg14 : memref<!tpu.dma_semaphore, #tpu.memory_space<semaphore_mem>>)
    %dma_start3A_40 = arith.constant 16 : i32
    %dma_start3A_41 = arith.constant 0 : i32
    %dma_start3A_42 = tpu.memref_slice %arg10[%dma_start3A_40, %dma_start3A_41] : memref<80x128xf32, #tpu.memory_space<vmem>> -> memref<16x128xf32, #tpu.memory_space<vmem>>
    %dma_start3A_43 = arith.constant 16 : i32
    %dma_start3A_44 = tpu.memref_slice %arg6[%dma_start3A_43] : memref<10080xi32, #tpu.memory_space<vmem>> -> memref<16xi32, #tpu.memory_space<vmem>>
    %dma_start3A_45 = arith.constant 0 : i32
    %dma_start3A_46 = arith.constant 0 : i32
    %dma_start3A_47 = tpu.memref_slice %arg3[%dma_start3A_45, %dma_start3A_46] : memref<10000x128xf32, #tpu.memory_space<hbm>> -> memref<10000x128xf32, #tpu.memory_space<hbm>>
    tpu.enqueue_indirect_dma source(%dma_start3A_47 : memref<10000x128xf32, #tpu.memory_space<hbm>>) target(%dma_start3A_42 : memref<16x128xf32, #tpu.memory_space<vmem>>) offsets(%dma_start3A_44 : memref<16xi32, #tpu.memory_space<vmem>>) semaphore(%arg14 : memref<!tpu.dma_semaphore, #tpu.memory_space<semaphore_mem>>)
    %dma_start3A_48 = arith.constant 32 : i32
    %dma_start3A_49 = arith.constant 0 : i32
    %dma_start3A_50 = tpu.memref_slice %arg10[%dma_start3A_48, %dma_start3A_49] : memref<80x128xf32, #tpu.memory_space<vmem>> -> memref<16x128xf32, #tpu.memory_space<vmem>>
    %dma_start3A_51 = arith.constant 32 : i32
    %dma_start3A_52 = tpu.memref_slice %arg6[%dma_start3A_51] : memref<10080xi32, #tpu.memory_space<vmem>> -> memref<16xi32, #tpu.memory_space<vmem>>
    %dma_start3A_53 = arith.constant 0 : i32
    %dma_start3A_54 = arith.constant 0 : i32
    %dma_start3A_55 = tpu.memref_slice %arg3[%dma_start3A_53, %dma_start3A_54] : memref<10000x128xf32, #tpu.memory_space<hbm>> -> memref<10000x128xf32, #tpu.memory_space<hbm>>
    tpu.enqueue_indirect_dma source(%dma_start3A_55 : memref<10000x128xf32, #tpu.memory_space<hbm>>) target(%dma_start3A_50 : memref<16x128xf32, #tpu.memory_space<vmem>>) offsets(%dma_start3A_52 : memref<16xi32, #tpu.memory_space<vmem>>) semaphore(%arg14 : memref<!tpu.dma_semaphore, #tpu.memory_space<semaphore_mem>>)
    %dma_start3A_56 = arith.constant 48 : i32
    %dma_start3A_57 = arith.constant 0 : i32
    %dma_start3A_58 = tpu.memref_slice %arg10[%dma_start3A_56, %dma_start3A_57] : memref<80x128xf32, #tpu.memory_space<vmem>> -> memref<16x128xf32, #tpu.memory_space<vmem>>
    %dma_start3A_59 = arith.constant 48 : i32
    %dma_start3A_60 = tpu.memref_slice %arg6[%dma_start3A_59] : memref<10080xi32, #tpu.memory_space<vmem>> -> memref<16xi32, #tpu.memory_space<vmem>>
    %dma_start3A_61 = arith.constant 0 : i32
    %dma_start3A_62 = arith.constant 0 : i32
    %dma_start3A_63 = tpu.memref_slice %arg3[%dma_start3A_61, %dma_start3A_62] : memref<10000x128xf32, #tpu.memory_space<hbm>> -> memref<10000x128xf32, #tpu.memory_space<hbm>>
    tpu.enqueue_indirect_dma source(%dma_start3A_63 : memref<10000x128xf32, #tpu.memory_space<hbm>>) target(%dma_start3A_58 : memref<16x128xf32, #tpu.memory_space<vmem>>) offsets(%dma_start3A_60 : memref<16xi32, #tpu.memory_space<vmem>>) semaphore(%arg14 : memref<!tpu.dma_semaphore, #tpu.memory_space<semaphore_mem>>)
    %dma_start3A_64 = arith.constant 64 : i32
    %dma_start3A_65 = arith.constant 0 : i32
    %dma_start3A_66 = tpu.memref_slice %arg10[%dma_start3A_64, %dma_start3A_65] : memref<80x128xf32, #tpu.memory_space<vmem>> -> memref<16x128xf32, #tpu.memory_space<vmem>>
    %dma_start3A_67 = arith.constant 64 : i32
    %dma_start3A_68 = tpu.memref_slice %arg6[%dma_start3A_67] : memref<10080xi32, #tpu.memory_space<vmem>> -> memref<16xi32, #tpu.memory_space<vmem>>
    %dma_start3A_69 = arith.constant 0 : i32
    %dma_start3A_70 = arith.constant 0 : i32
    %dma_start3A_71 = tpu.memref_slice %arg3[%dma_start3A_69, %dma_start3A_70] : memref<10000x128xf32, #tpu.memory_space<hbm>> -> memref<10000x128xf32, #tpu.memory_space<hbm>>
    tpu.enqueue_indirect_dma source(%dma_start3A_71 : memref<10000x128xf32, #tpu.memory_space<hbm>>) target(%dma_start3A_66 : memref<16x128xf32, #tpu.memory_space<vmem>>) offsets(%dma_start3A_68 : memref<16xi32, #tpu.memory_space<vmem>>) semaphore(%arg14 : memref<!tpu.dma_semaphore, #tpu.memory_space<semaphore_mem>>)
    %dma_start3A_72 = arith.constant 0 : i32
    %dma_start3A_73 = arith.constant 0 : i32
    %dma_start3A_74 = tpu.memref_slice %arg11[%dma_start3A_72, %dma_start3A_73] : memref<80x128xf32, #tpu.memory_space<vmem>> -> memref<16x128xf32, #tpu.memory_space<vmem>>
    %dma_start3A_75 = arith.constant 80 : i32
    %dma_start3A_76 = tpu.memref_slice %arg6[%dma_start3A_75] : memref<10080xi32, #tpu.memory_space<vmem>> -> memref<16xi32, #tpu.memory_space<vmem>>
    %dma_start3A_77 = arith.constant 0 : i32
    %dma_start3A_78 = arith.constant 0 : i32
    %dma_start3A_79 = tpu.memref_slice %arg3[%dma_start3A_77, %dma_start3A_78] : memref<10000x128xf32, #tpu.memory_space<hbm>> -> memref<10000x128xf32, #tpu.memory_space<hbm>>
    tpu.enqueue_indirect_dma source(%dma_start3A_79 : memref<10000x128xf32, #tpu.memory_space<hbm>>) target(%dma_start3A_74 : memref<16x128xf32, #tpu.memory_space<vmem>>) offsets(%dma_start3A_76 : memref<16xi32, #tpu.memory_space<vmem>>) semaphore(%arg15 : memref<!tpu.dma_semaphore, #tpu.memory_space<semaphore_mem>>)
    %dma_start3A_80 = arith.constant 16 : i32
    %dma_start3A_81 = arith.constant 0 : i32
    %dma_start3A_82 = tpu.memref_slice %arg11[%dma_start3A_80, %dma_start3A_81] : memref<80x128xf32, #tpu.memory_space<vmem>> -> memref<16x128xf32, #tpu.memory_space<vmem>>
    %dma_start3A_83 = arith.constant 96 : i32
    %dma_start3A_84 = tpu.memref_slice %arg6[%dma_start3A_83] : memref<10080xi32, #tpu.memory_space<vmem>> -> memref<16xi32, #tpu.memory_space<vmem>>
    %dma_start3A_85 = arith.constant 0 : i32
    %dma_start3A_86 = arith.constant 0 : i32
    %dma_start3A_87 = tpu.memref_slice %arg3[%dma_start3A_85, %dma_start3A_86] : memref<10000x128xf32, #tpu.memory_space<hbm>> -> memref<10000x128xf32, #tpu.memory_space<hbm>>
    tpu.enqueue_indirect_dma source(%dma_start3A_87 : memref<10000x128xf32, #tpu.memory_space<hbm>>) target(%dma_start3A_82 : memref<16x128xf32, #tpu.memory_space<vmem>>) offsets(%dma_start3A_84 : memref<16xi32, #tpu.memory_space<vmem>>) semaphore(%arg15 : memref<!tpu.dma_semaphore, #tpu.memory_space<semaphore_mem>>)
    %dma_start3A_88 = arith.constant 32 : i32
    %dma_start3A_89 = arith.constant 0 : i32
    %dma_start3A_90 = tpu.memref_slice %arg11[%dma_start3A_88, %dma_start3A_89] : memref<80x128xf32, #tpu.memory_space<vmem>> -> memref<16x128xf32, #tpu.memory_space<vmem>>
    %dma_start3A_91 = arith.constant 112 : i32
    %dma_start3A_92 = tpu.memref_slice %arg6[%dma_start3A_91] : memref<10080xi32, #tpu.memory_space<vmem>> -> memref<16xi32, #tpu.memory_space<vmem>>
    %dma_start3A_93 = arith.constant 0 : i32
    %dma_start3A_94 = arith.constant 0 : i32
    %dma_start3A_95 = tpu.memref_slice %arg3[%dma_start3A_93, %dma_start3A_94] : memref<10000x128xf32, #tpu.memory_space<hbm>> -> memref<10000x128xf32, #tpu.memory_space<hbm>>
    tpu.enqueue_indirect_dma source(%dma_start3A_95 : memref<10000x128xf32, #tpu.memory_space<hbm>>) target(%dma_start3A_90 : memref<16x128xf32, #tpu.memory_space<vmem>>) offsets(%dma_start3A_92 : memref<16xi32, #tpu.memory_space<vmem>>) semaphore(%arg15 : memref<!tpu.dma_semaphore, #tpu.memory_space<semaphore_mem>>)
    %dma_start3A_96 = arith.constant 48 : i32
    %dma_start3A_97 = arith.constant 0 : i32
    %dma_start3A_98 = tpu.memref_slice %arg11[%dma_start3A_96, %dma_start3A_97] : memref<80x128xf32, #tpu.memory_space<vmem>> -> memref<16x128xf32, #tpu.memory_space<vmem>>
    %dma_start3A_99 = arith.constant 128 : i32
    %dma_start3A_100 = tpu.memref_slice %arg6[%dma_start3A_99] : memref<10080xi32, #tpu.memory_space<vmem>> -> memref<16xi32, #tpu.memory_space<vmem>>
    %dma_start3A_101 = arith.constant 0 : i32
    %dma_start3A_102 = arith.constant 0 : i32
    %dma_start3A_103 = tpu.memref_slice %arg3[%dma_start3A_101, %dma_start3A_102] : memref<10000x128xf32, #tpu.memory_space<hbm>> -> memref<10000x128xf32, #tpu.memory_space<hbm>>
    tpu.enqueue_indirect_dma source(%dma_start3A_103 : memref<10000x128xf32, #tpu.memory_space<hbm>>) target(%dma_start3A_98 : memref<16x128xf32, #tpu.memory_space<vmem>>) offsets(%dma_start3A_100 : memref<16xi32, #tpu.memory_space<vmem>>) semaphore(%arg15 : memref<!tpu.dma_semaphore, #tpu.memory_space<semaphore_mem>>)
    %dma_start3A_104 = arith.constant 64 : i32
    %dma_start3A_105 = arith.constant 0 : i32
    %dma_start3A_106 = tpu.memref_slice %arg11[%dma_start3A_104, %dma_start3A_105] : memref<80x128xf32, #tpu.memory_space<vmem>> -> memref<16x128xf32, #tpu.memory_space<vmem>>
    %dma_start3A_107 = arith.constant 144 : i32
    %dma_start3A_108 = tpu.memref_slice %arg6[%dma_start3A_107] : memref<10080xi32, #tpu.memory_space<vmem>> -> memref<16xi32, #tpu.memory_space<vmem>>
    %dma_start3A_109 = arith.constant 0 : i32
    %dma_start3A_110 = arith.constant 0 : i32
    %dma_start3A_111 = tpu.memref_slice %arg3[%dma_start3A_109, %dma_start3A_110] : memref<10000x128xf32, #tpu.memory_space<hbm>> -> memref<10000x128xf32, #tpu.memory_space<hbm>>
    tpu.enqueue_indirect_dma source(%dma_start3A_111 : memref<10000x128xf32, #tpu.memory_space<hbm>>) target(%dma_start3A_106 : memref<16x128xf32, #tpu.memory_space<vmem>>) offsets(%dma_start3A_108 : memref<16xi32, #tpu.memory_space<vmem>>) semaphore(%arg15 : memref<!tpu.dma_semaphore, #tpu.memory_space<semaphore_mem>>)
    %scan3A = arith.constant 0 : i32
    %scan3A_112 = arith.constant 0 : i32
    %scan3A_113 = arith.constant 42 : i32
    %scan3A_114 = arith.addi %scan3A_112, %scan3A_113 : i32
    %scan3A_115 = arith.constant 1 : i32
    scf.for %scan3A_189 = %scan3A_112 to %scan3A_114 step %scan3A_115  : i32 {
      %mul3A_190 = arith.constant 3 : i32
      %mul3A_191 = arith.muli %scan3A_189, %mul3A_190 : i32
      %add3A_192 = arith.constant 0 : i32
      %add3A_193 = arith.addi %mul3A_191, %add3A_192 : i32
      %lt3A_194 = arith.cmpi slt, %add3A_193, %add3A_10 : i32
      %convert_element_type3A_195 = arith.extui %lt3A_194 : i1 to i32
      %cond3A_196 = arith.constant 0 : i32
      %cond3A_197 = arith.cmpi ne, %convert_element_type3A_195, %cond3A_196 : i32
      scf.if %cond3A_197 {
        %ge3A = arith.constant 1 : i32
        %ge3A_214 = arith.cmpi sge, %add3A_193, %ge3A : i32
        %convert_element_type3A_215 = arith.extui %ge3A_214 : i1 to i32
        %cond3A_216 = arith.constant 0 : i32
        %cond3A_217 = arith.cmpi ne, %convert_element_type3A_215, %cond3A_216 : i32
        scf.if %cond3A_217 {
          %dma_wait3A_285 = arith.constant 0 : i32
          %dma_wait3A_286 = arith.constant 0 : i32
          %dma_wait3A_287 = tpu.memref_slice %arg13[%dma_wait3A_285, %dma_wait3A_286] : memref<10000x128xf32, #tpu.memory_space<vmem_shared>> -> memref<10000x128xf32, #tpu.memory_space<vmem_shared>>
          tpu.wait_indirect_dma semaphore(%arg19 : memref<!tpu.dma_semaphore, #tpu.memory_space<semaphore_mem>>) src(%arg12 : memref<80x128xf32, #tpu.memory_space<vmem>>) dst(%dma_wait3A_287 : memref<10000x128xf32, #tpu.memory_space<vmem_shared>>)
        } else {
        }
        %add3A_218 = arith.constant 2 : i32
        %add3A_219 = arith.addi %add3A_193, %add3A_218 : i32
        %lt3A_220 = arith.cmpi slt, %add3A_219, %add3A_10 : i32
        %convert_element_type3A_221 = arith.extui %lt3A_220 : i1 to i32
        %cond3A_222 = arith.constant 0 : i32
        %cond3A_223 = arith.cmpi ne, %convert_element_type3A_221, %cond3A_222 : i32
        scf.if %cond3A_223 {
          %add3A_285 = arith.constant 2 : i32
          %add3A_286 = arith.addi %add3A_193, %add3A_285 : i32
          %add3A_287 = arith.addi %add3A_6, %add3A_286 : i32
          %mul3A_288 = arith.constant 80 : i32
          %mul3A_289 = arith.muli %add3A_287, %mul3A_288 : i32
          %add3A_290 = arith.constant 320000 : i32
          %add3A_291 = arith.addi %add3A_290, %mul3A_289 : i32
          %dma_start3A_292 = tpu.memref_slice %arg2[%add3A_291] : memref<640000xi32, #tpu.memory_space<hbm>> -> memref<80xi32, #tpu.memory_space<hbm>>
          %dma_start3A_293 = tpu.memref_slice %arg2[%add3A_291] : memref<640000xi32, #tpu.memory_space<hbm>> -> memref<80xi32, #tpu.memory_space<hbm>>
          tpu.enqueue_dma source(%dma_start3A_293 : memref<80xi32, #tpu.memory_space<hbm>>) target(%arg9 : memref<80xi32, #tpu.memory_space<vmem>>) target_semaphore(%arg22 : memref<!tpu.dma_semaphore, #tpu.memory_space<semaphore_mem>>)
          %add3A_294 = arith.constant 2 : i32
          %add3A_295 = arith.addi %add3A_193, %add3A_294 : i32
          %mul3A_296 = arith.constant 80 : i32
          %mul3A_297 = arith.muli %add3A_295, %mul3A_296 : i32
          %add3A_298 = arith.constant 0 : i32
          %add3A_299 = arith.addi %mul3A_297, %add3A_298 : i32
          %dma_start3A_300 = arith.constant 0 : i32
          %dma_start3A_301 = arith.constant 0 : i32
          %dma_start3A_302 = tpu.memref_slice %arg12[%dma_start3A_300, %dma_start3A_301] : memref<80x128xf32, #tpu.memory_space<vmem>> -> memref<16x128xf32, #tpu.memory_space<vmem>>
          %dma_start3A_303 = tpu.memref_slice %arg6[%add3A_299] : memref<10080xi32, #tpu.memory_space<vmem>> -> memref<16xi32, #tpu.memory_space<vmem>>
          %dma_start3A_304 = arith.constant 0 : i32
          %dma_start3A_305 = arith.constant 0 : i32
          %dma_start3A_306 = tpu.memref_slice %arg3[%dma_start3A_304, %dma_start3A_305] : memref<10000x128xf32, #tpu.memory_space<hbm>> -> memref<10000x128xf32, #tpu.memory_space<hbm>>
          tpu.enqueue_indirect_dma source(%dma_start3A_306 : memref<10000x128xf32, #tpu.memory_space<hbm>>) target(%dma_start3A_302 : memref<16x128xf32, #tpu.memory_space<vmem>>) offsets(%dma_start3A_303 : memref<16xi32, #tpu.memory_space<vmem>>) semaphore(%arg16 : memref<!tpu.dma_semaphore, #tpu.memory_space<semaphore_mem>>)
          %mul3A_307 = arith.constant 80 : i32
          %mul3A_308 = arith.muli %add3A_295, %mul3A_307 : i32
          %add3A_309 = arith.constant 16 : i32
          %add3A_310 = arith.addi %mul3A_308, %add3A_309 : i32
          %dma_start3A_311 = arith.constant 16 : i32
          %dma_start3A_312 = arith.constant 0 : i32
          %dma_start3A_313 = tpu.memref_slice %arg12[%dma_start3A_311, %dma_start3A_312] : memref<80x128xf32, #tpu.memory_space<vmem>> -> memref<16x128xf32, #tpu.memory_space<vmem>>
          %dma_start3A_314 = tpu.memref_slice %arg6[%add3A_310] : memref<10080xi32, #tpu.memory_space<vmem>> -> memref<16xi32, #tpu.memory_space<vmem>>
          %dma_start3A_315 = arith.constant 0 : i32
          %dma_start3A_316 = arith.constant 0 : i32
          %dma_start3A_317 = tpu.memref_slice %arg3[%dma_start3A_315, %dma_start3A_316] : memref<10000x128xf32, #tpu.memory_space<hbm>> -> memref<10000x128xf32, #tpu.memory_space<hbm>>
          tpu.enqueue_indirect_dma source(%dma_start3A_317 : memref<10000x128xf32, #tpu.memory_space<hbm>>) target(%dma_start3A_313 : memref<16x128xf32, #tpu.memory_space<vmem>>) offsets(%dma_start3A_314 : memref<16xi32, #tpu.memory_space<vmem>>) semaphore(%arg16 : memref<!tpu.dma_semaphore, #tpu.memory_space<semaphore_mem>>)
          %mul3A_318 = arith.constant 80 : i32
          %mul3A_319 = arith.muli %add3A_295, %mul3A_318 : i32
          %add3A_320 = arith.constant 32 : i32
          %add3A_321 = arith.addi %mul3A_319, %add3A_320 : i32
          %dma_start3A_322 = arith.constant 32 : i32
          %dma_start3A_323 = arith.constant 0 : i32
          %dma_start3A_324 = tpu.memref_slice %arg12[%dma_start3A_322, %dma_start3A_323] : memref<80x128xf32, #tpu.memory_space<vmem>> -> memref<16x128xf32, #tpu.memory_space<vmem>>
          %dma_start3A_325 = tpu.memref_slice %arg6[%add3A_321] : memref<10080xi32, #tpu.memory_space<vmem>> -> memref<16xi32, #tpu.memory_space<vmem>>
          %dma_start3A_326 = arith.constant 0 : i32
          %dma_start3A_327 = arith.constant 0 : i32
          %dma_start3A_328 = tpu.memref_slice %arg3[%dma_start3A_326, %dma_start3A_327] : memref<10000x128xf32, #tpu.memory_space<hbm>> -> memref<10000x128xf32, #tpu.memory_space<hbm>>
          tpu.enqueue_indirect_dma source(%dma_start3A_328 : memref<10000x128xf32, #tpu.memory_space<hbm>>) target(%dma_start3A_324 : memref<16x128xf32, #tpu.memory_space<vmem>>) offsets(%dma_start3A_325 : memref<16xi32, #tpu.memory_space<vmem>>) semaphore(%arg16 : memref<!tpu.dma_semaphore, #tpu.memory_space<semaphore_mem>>)
          %mul3A_329 = arith.constant 80 : i32
          %mul3A_330 = arith.muli %add3A_295, %mul3A_329 : i32
          %add3A_331 = arith.constant 48 : i32
          %add3A_332 = arith.addi %mul3A_330, %add3A_331 : i32
          %dma_start3A_333 = arith.constant 48 : i32
          %dma_start3A_334 = arith.constant 0 : i32
          %dma_start3A_335 = tpu.memref_slice %arg12[%dma_start3A_333, %dma_start3A_334] : memref<80x128xf32, #tpu.memory_space<vmem>> -> memref<16x128xf32, #tpu.memory_space<vmem>>
          %dma_start3A_336 = tpu.memref_slice %arg6[%add3A_332] : memref<10080xi32, #tpu.memory_space<vmem>> -> memref<16xi32, #tpu.memory_space<vmem>>
          %dma_start3A_337 = arith.constant 0 : i32
          %dma_start3A_338 = arith.constant 0 : i32
          %dma_start3A_339 = tpu.memref_slice %arg3[%dma_start3A_337, %dma_start3A_338] : memref<10000x128xf32, #tpu.memory_space<hbm>> -> memref<10000x128xf32, #tpu.memory_space<hbm>>
          tpu.enqueue_indirect_dma source(%dma_start3A_339 : memref<10000x128xf32, #tpu.memory_space<hbm>>) target(%dma_start3A_335 : memref<16x128xf32, #tpu.memory_space<vmem>>) offsets(%dma_start3A_336 : memref<16xi32, #tpu.memory_space<vmem>>) semaphore(%arg16 : memref<!tpu.dma_semaphore, #tpu.memory_space<semaphore_mem>>)
          %mul3A_340 = arith.constant 80 : i32
          %mul3A_341 = arith.muli %add3A_295, %mul3A_340 : i32
          %add3A_342 = arith.constant 64 : i32
          %add3A_343 = arith.addi %mul3A_341, %add3A_342 : i32
          %dma_start3A_344 = arith.constant 64 : i32
          %dma_start3A_345 = arith.constant 0 : i32
          %dma_start3A_346 = tpu.memref_slice %arg12[%dma_start3A_344, %dma_start3A_345] : memref<80x128xf32, #tpu.memory_space<vmem>> -> memref<16x128xf32, #tpu.memory_space<vmem>>
          %dma_start3A_347 = tpu.memref_slice %arg6[%add3A_343] : memref<10080xi32, #tpu.memory_space<vmem>> -> memref<16xi32, #tpu.memory_space<vmem>>
          %dma_start3A_348 = arith.constant 0 : i32
          %dma_start3A_349 = arith.constant 0 : i32
          %dma_start3A_350 = tpu.memref_slice %arg3[%dma_start3A_348, %dma_start3A_349] : memref<10000x128xf32, #tpu.memory_space<hbm>> -> memref<10000x128xf32, #tpu.memory_space<hbm>>
          tpu.enqueue_indirect_dma source(%dma_start3A_350 : memref<10000x128xf32, #tpu.memory_space<hbm>>) target(%dma_start3A_346 : memref<16x128xf32, #tpu.memory_space<vmem>>) offsets(%dma_start3A_347 : memref<16xi32, #tpu.memory_space<vmem>>) semaphore(%arg16 : memref<!tpu.dma_semaphore, #tpu.memory_space<semaphore_mem>>)
        } else {
        }
        %mul3A_224 = arith.constant 80 : i32
        %mul3A_225 = arith.muli %add3A_193, %mul3A_224 : i32
        %add3A_226 = arith.constant 0 : i32
        %add3A_227 = arith.addi %mul3A_225, %add3A_226 : i32
        %dma_wait3A = arith.constant 0 : i32
        %dma_wait3A_228 = arith.constant 0 : i32
        %dma_wait3A_229 = tpu.memref_slice %arg10[%dma_wait3A, %dma_wait3A_228] : memref<80x128xf32, #tpu.memory_space<vmem>> -> memref<16x128xf32, #tpu.memory_space<vmem>>
        %dma_wait3A_230 = tpu.memref_slice %arg6[%add3A_227] : memref<10080xi32, #tpu.memory_space<vmem>> -> memref<16xi32, #tpu.memory_space<vmem>>
        %dma_wait3A_231 = arith.constant 0 : i32
        %dma_wait3A_232 = arith.constant 0 : i32
        %dma_wait3A_233 = tpu.memref_slice %arg3[%dma_wait3A_231, %dma_wait3A_232] : memref<10000x128xf32, #tpu.memory_space<hbm>> -> memref<10000x128xf32, #tpu.memory_space<hbm>>
        tpu.wait_indirect_dma semaphore(%arg14 : memref<!tpu.dma_semaphore, #tpu.memory_space<semaphore_mem>>) src(%dma_wait3A_233 : memref<10000x128xf32, #tpu.memory_space<hbm>>) dst(%dma_wait3A_229 : memref<16x128xf32, #tpu.memory_space<vmem>>)
        %mul3A_234 = arith.constant 80 : i32
        %mul3A_235 = arith.muli %add3A_193, %mul3A_234 : i32
        %add3A_236 = arith.constant 16 : i32
        %add3A_237 = arith.addi %mul3A_235, %add3A_236 : i32
        %dma_wait3A_238 = arith.constant 16 : i32
        %dma_wait3A_239 = arith.constant 0 : i32
        %dma_wait3A_240 = tpu.memref_slice %arg10[%dma_wait3A_238, %dma_wait3A_239] : memref<80x128xf32, #tpu.memory_space<vmem>> -> memref<16x128xf32, #tpu.memory_space<vmem>>
        %dma_wait3A_241 = tpu.memref_slice %arg6[%add3A_237] : memref<10080xi32, #tpu.memory_space<vmem>> -> memref<16xi32, #tpu.memory_space<vmem>>
        %dma_wait3A_242 = arith.constant 0 : i32
        %dma_wait3A_243 = arith.constant 0 : i32
        %dma_wait3A_244 = tpu.memref_slice %arg3[%dma_wait3A_242, %dma_wait3A_243] : memref<10000x128xf32, #tpu.memory_space<hbm>> -> memref<10000x128xf32, #tpu.memory_space<hbm>>
        tpu.wait_indirect_dma semaphore(%arg14 : memref<!tpu.dma_semaphore, #tpu.memory_space<semaphore_mem>>) src(%dma_wait3A_244 : memref<10000x128xf32, #tpu.memory_space<hbm>>) dst(%dma_wait3A_240 : memref<16x128xf32, #tpu.memory_space<vmem>>)
        %mul3A_245 = arith.constant 80 : i32
        %mul3A_246 = arith.muli %add3A_193, %mul3A_245 : i32
        %add3A_247 = arith.constant 32 : i32
        %add3A_248 = arith.addi %mul3A_246, %add3A_247 : i32
        %dma_wait3A_249 = arith.constant 32 : i32
        %dma_wait3A_250 = arith.constant 0 : i32
        %dma_wait3A_251 = tpu.memref_slice %arg10[%dma_wait3A_249, %dma_wait3A_250] : memref<80x128xf32, #tpu.memory_space<vmem>> -> memref<16x128xf32, #tpu.memory_space<vmem>>
        %dma_wait3A_252 = tpu.memref_slice %arg6[%add3A_248] : memref<10080xi32, #tpu.memory_space<vmem>> -> memref<16xi32, #tpu.memory_space<vmem>>
        %dma_wait3A_253 = arith.constant 0 : i32
        %dma_wait3A_254 = arith.constant 0 : i32
        %dma_wait3A_255 = tpu.memref_slice %arg3[%dma_wait3A_253, %dma_wait3A_254] : memref<10000x128xf32, #tpu.memory_space<hbm>> -> memref<10000x128xf32, #tpu.memory_space<hbm>>
        tpu.wait_indirect_dma semaphore(%arg14 : memref<!tpu.dma_semaphore, #tpu.memory_space<semaphore_mem>>) src(%dma_wait3A_255 : memref<10000x128xf32, #tpu.memory_space<hbm>>) dst(%dma_wait3A_251 : memref<16x128xf32, #tpu.memory_space<vmem>>)
        %mul3A_256 = arith.constant 80 : i32
        %mul3A_257 = arith.muli %add3A_193, %mul3A_256 : i32
        %add3A_258 = arith.constant 48 : i32
        %add3A_259 = arith.addi %mul3A_257, %add3A_258 : i32
        %dma_wait3A_260 = arith.constant 48 : i32
        %dma_wait3A_261 = arith.constant 0 : i32
        %dma_wait3A_262 = tpu.memref_slice %arg10[%dma_wait3A_260, %dma_wait3A_261] : memref<80x128xf32, #tpu.memory_space<vmem>> -> memref<16x128xf32, #tpu.memory_space<vmem>>
        %dma_wait3A_263 = tpu.memref_slice %arg6[%add3A_259] : memref<10080xi32, #tpu.memory_space<vmem>> -> memref<16xi32, #tpu.memory_space<vmem>>
        %dma_wait3A_264 = arith.constant 0 : i32
        %dma_wait3A_265 = arith.constant 0 : i32
        %dma_wait3A_266 = tpu.memref_slice %arg3[%dma_wait3A_264, %dma_wait3A_265] : memref<10000x128xf32, #tpu.memory_space<hbm>> -> memref<10000x128xf32, #tpu.memory_space<hbm>>
        tpu.wait_indirect_dma semaphore(%arg14 : memref<!tpu.dma_semaphore, #tpu.memory_space<semaphore_mem>>) src(%dma_wait3A_266 : memref<10000x128xf32, #tpu.memory_space<hbm>>) dst(%dma_wait3A_262 : memref<16x128xf32, #tpu.memory_space<vmem>>)
        %mul3A_267 = arith.constant 80 : i32
        %mul3A_268 = arith.muli %add3A_193, %mul3A_267 : i32
        %add3A_269 = arith.constant 64 : i32
        %add3A_270 = arith.addi %mul3A_268, %add3A_269 : i32
        %dma_wait3A_271 = arith.constant 64 : i32
        %dma_wait3A_272 = arith.constant 0 : i32
        %dma_wait3A_273 = tpu.memref_slice %arg10[%dma_wait3A_271, %dma_wait3A_272] : memref<80x128xf32, #tpu.memory_space<vmem>> -> memref<16x128xf32, #tpu.memory_space<vmem>>
        %dma_wait3A_274 = tpu.memref_slice %arg6[%add3A_270] : memref<10080xi32, #tpu.memory_space<vmem>> -> memref<16xi32, #tpu.memory_space<vmem>>
        %dma_wait3A_275 = arith.constant 0 : i32
        %dma_wait3A_276 = arith.constant 0 : i32
        %dma_wait3A_277 = tpu.memref_slice %arg3[%dma_wait3A_275, %dma_wait3A_276] : memref<10000x128xf32, #tpu.memory_space<hbm>> -> memref<10000x128xf32, #tpu.memory_space<hbm>>
        tpu.wait_indirect_dma semaphore(%arg14 : memref<!tpu.dma_semaphore, #tpu.memory_space<semaphore_mem>>) src(%dma_wait3A_277 : memref<10000x128xf32, #tpu.memory_space<hbm>>) dst(%dma_wait3A_273 : memref<16x128xf32, #tpu.memory_space<vmem>>)
        %dma_wait3A_278 = arith.constant 0 : i32
        %dma_wait3A_279 = tpu.memref_slice %arg2[%dma_wait3A_278] : memref<640000xi32, #tpu.memory_space<hbm>> -> memref<80xi32, #tpu.memory_space<hbm>>
        %dma_wait3A_280 = arith.constant 0 : i32
        %dma_wait3A_281 = tpu.memref_slice %arg2[%dma_wait3A_280] : memref<640000xi32, #tpu.memory_space<hbm>> -> memref<80xi32, #tpu.memory_space<hbm>>
        tpu.wait_dma2 semaphore(%arg20 : memref<!tpu.dma_semaphore, #tpu.memory_space<semaphore_mem>>) src(%dma_wait3A_281 : memref<80xi32, #tpu.memory_space<hbm>>) dst(%arg7 : memref<80xi32, #tpu.memory_space<vmem>>)
        %dma_start3A_282 = arith.constant 0 : i32
        %dma_start3A_283 = arith.constant 0 : i32
        %dma_start3A_284 = tpu.memref_slice %arg13[%dma_start3A_282, %dma_start3A_283] : memref<10000x128xf32, #tpu.memory_space<vmem_shared>> -> memref<10000x128xf32, #tpu.memory_space<vmem_shared>>
        tpu.enqueue_indirect_dma source(%arg10 : memref<80x128xf32, #tpu.memory_space<vmem>>) target(%dma_start3A_284 : memref<10000x128xf32, #tpu.memory_space<vmem_shared>>) offsets(%arg7 : memref<80xi32, #tpu.memory_space<vmem>>) semaphore(%arg17 : memref<!tpu.dma_semaphore, #tpu.memory_space<semaphore_mem>>) {add = true}
      } else {
      }
      %mul3A_198 = arith.constant 3 : i32
      %mul3A_199 = arith.muli %scan3A_189, %mul3A_198 : i32
      %add3A_200 = arith.constant 1 : i32
      %add3A_201 = arith.addi %mul3A_199, %add3A_200 : i32
      %lt3A_202 = arith.cmpi slt, %add3A_201, %add3A_10 : i32
      %convert_element_type3A_203 = arith.extui %lt3A_202 : i1 to i32
      %cond3A_204 = arith.constant 0 : i32
      %cond3A_205 = arith.cmpi ne, %convert_element_type3A_203, %cond3A_204 : i32
      scf.if %cond3A_205 {
        %ge3A = arith.constant 1 : i32
        %ge3A_214 = arith.cmpi sge, %add3A_201, %ge3A : i32
        %convert_element_type3A_215 = arith.extui %ge3A_214 : i1 to i32
        %cond3A_216 = arith.constant 0 : i32
        %cond3A_217 = arith.cmpi ne, %convert_element_type3A_215, %cond3A_216 : i32
        scf.if %cond3A_217 {
          %dma_wait3A_285 = arith.constant 0 : i32
          %dma_wait3A_286 = arith.constant 0 : i32
          %dma_wait3A_287 = tpu.memref_slice %arg13[%dma_wait3A_285, %dma_wait3A_286] : memref<10000x128xf32, #tpu.memory_space<vmem_shared>> -> memref<10000x128xf32, #tpu.memory_space<vmem_shared>>
          tpu.wait_indirect_dma semaphore(%arg17 : memref<!tpu.dma_semaphore, #tpu.memory_space<semaphore_mem>>) src(%arg10 : memref<80x128xf32, #tpu.memory_space<vmem>>) dst(%dma_wait3A_287 : memref<10000x128xf32, #tpu.memory_space<vmem_shared>>)
        } else {
        }
        %add3A_218 = arith.constant 2 : i32
        %add3A_219 = arith.addi %add3A_201, %add3A_218 : i32
        %lt3A_220 = arith.cmpi slt, %add3A_219, %add3A_10 : i32
        %convert_element_type3A_221 = arith.extui %lt3A_220 : i1 to i32
        %cond3A_222 = arith.constant 0 : i32
        %cond3A_223 = arith.cmpi ne, %convert_element_type3A_221, %cond3A_222 : i32
        scf.if %cond3A_223 {
          %add3A_285 = arith.constant 2 : i32
          %add3A_286 = arith.addi %add3A_201, %add3A_285 : i32
          %add3A_287 = arith.addi %add3A_6, %add3A_286 : i32
          %mul3A_288 = arith.constant 80 : i32
          %mul3A_289 = arith.muli %add3A_287, %mul3A_288 : i32
          %add3A_290 = arith.constant 320000 : i32
          %add3A_291 = arith.addi %add3A_290, %mul3A_289 : i32
          %dma_start3A_292 = tpu.memref_slice %arg2[%add3A_291] : memref<640000xi32, #tpu.memory_space<hbm>> -> memref<80xi32, #tpu.memory_space<hbm>>
          %dma_start3A_293 = tpu.memref_slice %arg2[%add3A_291] : memref<640000xi32, #tpu.memory_space<hbm>> -> memref<80xi32, #tpu.memory_space<hbm>>
          tpu.enqueue_dma source(%dma_start3A_293 : memref<80xi32, #tpu.memory_space<hbm>>) target(%arg7 : memref<80xi32, #tpu.memory_space<vmem>>) target_semaphore(%arg20 : memref<!tpu.dma_semaphore, #tpu.memory_space<semaphore_mem>>)
          %add3A_294 = arith.constant 2 : i32
          %add3A_295 = arith.addi %add3A_201, %add3A_294 : i32
          %mul3A_296 = arith.constant 80 : i32
          %mul3A_297 = arith.muli %add3A_295, %mul3A_296 : i32
          %add3A_298 = arith.constant 0 : i32
          %add3A_299 = arith.addi %mul3A_297, %add3A_298 : i32
          %dma_start3A_300 = arith.constant 0 : i32
          %dma_start3A_301 = arith.constant 0 : i32
          %dma_start3A_302 = tpu.memref_slice %arg10[%dma_start3A_300, %dma_start3A_301] : memref<80x128xf32, #tpu.memory_space<vmem>> -> memref<16x128xf32, #tpu.memory_space<vmem>>
          %dma_start3A_303 = tpu.memref_slice %arg6[%add3A_299] : memref<10080xi32, #tpu.memory_space<vmem>> -> memref<16xi32, #tpu.memory_space<vmem>>
          %dma_start3A_304 = arith.constant 0 : i32
          %dma_start3A_305 = arith.constant 0 : i32
          %dma_start3A_306 = tpu.memref_slice %arg3[%dma_start3A_304, %dma_start3A_305] : memref<10000x128xf32, #tpu.memory_space<hbm>> -> memref<10000x128xf32, #tpu.memory_space<hbm>>
          tpu.enqueue_indirect_dma source(%dma_start3A_306 : memref<10000x128xf32, #tpu.memory_space<hbm>>) target(%dma_start3A_302 : memref<16x128xf32, #tpu.memory_space<vmem>>) offsets(%dma_start3A_303 : memref<16xi32, #tpu.memory_space<vmem>>) semaphore(%arg14 : memref<!tpu.dma_semaphore, #tpu.memory_space<semaphore_mem>>)
          %mul3A_307 = arith.constant 80 : i32
          %mul3A_308 = arith.muli %add3A_295, %mul3A_307 : i32
          %add3A_309 = arith.constant 16 : i32
          %add3A_310 = arith.addi %mul3A_308, %add3A_309 : i32
          %dma_start3A_311 = arith.constant 16 : i32
          %dma_start3A_312 = arith.constant 0 : i32
          %dma_start3A_313 = tpu.memref_slice %arg10[%dma_start3A_311, %dma_start3A_312] : memref<80x128xf32, #tpu.memory_space<vmem>> -> memref<16x128xf32, #tpu.memory_space<vmem>>
          %dma_start3A_314 = tpu.memref_slice %arg6[%add3A_310] : memref<10080xi32, #tpu.memory_space<vmem>> -> memref<16xi32, #tpu.memory_space<vmem>>
          %dma_start3A_315 = arith.constant 0 : i32
          %dma_start3A_316 = arith.constant 0 : i32
          %dma_start3A_317 = tpu.memref_slice %arg3[%dma_start3A_315, %dma_start3A_316] : memref<10000x128xf32, #tpu.memory_space<hbm>> -> memref<10000x128xf32, #tpu.memory_space<hbm>>
          tpu.enqueue_indirect_dma source(%dma_start3A_317 : memref<10000x128xf32, #tpu.memory_space<hbm>>) target(%dma_start3A_313 : memref<16x128xf32, #tpu.memory_space<vmem>>) offsets(%dma_start3A_314 : memref<16xi32, #tpu.memory_space<vmem>>) semaphore(%arg14 : memref<!tpu.dma_semaphore, #tpu.memory_space<semaphore_mem>>)
          %mul3A_318 = arith.constant 80 : i32
          %mul3A_319 = arith.muli %add3A_295, %mul3A_318 : i32
          %add3A_320 = arith.constant 32 : i32
          %add3A_321 = arith.addi %mul3A_319, %add3A_320 : i32
          %dma_start3A_322 = arith.constant 32 : i32
          %dma_start3A_323 = arith.constant 0 : i32
          %dma_start3A_324 = tpu.memref_slice %arg10[%dma_start3A_322, %dma_start3A_323] : memref<80x128xf32, #tpu.memory_space<vmem>> -> memref<16x128xf32, #tpu.memory_space<vmem>>
          %dma_start3A_325 = tpu.memref_slice %arg6[%add3A_321] : memref<10080xi32, #tpu.memory_space<vmem>> -> memref<16xi32, #tpu.memory_space<vmem>>
          %dma_start3A_326 = arith.constant 0 : i32
          %dma_start3A_327 = arith.constant 0 : i32
          %dma_start3A_328 = tpu.memref_slice %arg3[%dma_start3A_326, %dma_start3A_327] : memref<10000x128xf32, #tpu.memory_space<hbm>> -> memref<10000x128xf32, #tpu.memory_space<hbm>>
          tpu.enqueue_indirect_dma source(%dma_start3A_328 : memref<10000x128xf32, #tpu.memory_space<hbm>>) target(%dma_start3A_324 : memref<16x128xf32, #tpu.memory_space<vmem>>) offsets(%dma_start3A_325 : memref<16xi32, #tpu.memory_space<vmem>>) semaphore(%arg14 : memref<!tpu.dma_semaphore, #tpu.memory_space<semaphore_mem>>)
          %mul3A_329 = arith.constant 80 : i32
          %mul3A_330 = arith.muli %add3A_295, %mul3A_329 : i32
          %add3A_331 = arith.constant 48 : i32
          %add3A_332 = arith.addi %mul3A_330, %add3A_331 : i32
          %dma_start3A_333 = arith.constant 48 : i32
          %dma_start3A_334 = arith.constant 0 : i32
          %dma_start3A_335 = tpu.memref_slice %arg10[%dma_start3A_333, %dma_start3A_334] : memref<80x128xf32, #tpu.memory_space<vmem>> -> memref<16x128xf32, #tpu.memory_space<vmem>>
          %dma_start3A_336 = tpu.memref_slice %arg6[%add3A_332] : memref<10080xi32, #tpu.memory_space<vmem>> -> memref<16xi32, #tpu.memory_space<vmem>>
          %dma_start3A_337 = arith.constant 0 : i32
          %dma_start3A_338 = arith.constant 0 : i32
          %dma_start3A_339 = tpu.memref_slice %arg3[%dma_start3A_337, %dma_start3A_338] : memref<10000x128xf32, #tpu.memory_space<hbm>> -> memref<10000x128xf32, #tpu.memory_space<hbm>>
          tpu.enqueue_indirect_dma source(%dma_start3A_339 : memref<10000x128xf32, #tpu.memory_space<hbm>>) target(%dma_start3A_335 : memref<16x128xf32, #tpu.memory_space<vmem>>) offsets(%dma_start3A_336 : memref<16xi32, #tpu.memory_space<vmem>>) semaphore(%arg14 : memref<!tpu.dma_semaphore, #tpu.memory_space<semaphore_mem>>)
          %mul3A_340 = arith.constant 80 : i32
          %mul3A_341 = arith.muli %add3A_295, %mul3A_340 : i32
          %add3A_342 = arith.constant 64 : i32
          %add3A_343 = arith.addi %mul3A_341, %add3A_342 : i32
          %dma_start3A_344 = arith.constant 64 : i32
          %dma_start3A_345 = arith.constant 0 : i32
          %dma_start3A_346 = tpu.memref_slice %arg10[%dma_start3A_344, %dma_start3A_345] : memref<80x128xf32, #tpu.memory_space<vmem>> -> memref<16x128xf32, #tpu.memory_space<vmem>>
          %dma_start3A_347 = tpu.memref_slice %arg6[%add3A_343] : memref<10080xi32, #tpu.memory_space<vmem>> -> memref<16xi32, #tpu.memory_space<vmem>>
          %dma_start3A_348 = arith.constant 0 : i32
          %dma_start3A_349 = arith.constant 0 : i32
          %dma_start3A_350 = tpu.memref_slice %arg3[%dma_start3A_348, %dma_start3A_349] : memref<10000x128xf32, #tpu.memory_space<hbm>> -> memref<10000x128xf32, #tpu.memory_space<hbm>>
          tpu.enqueue_indirect_dma source(%dma_start3A_350 : memref<10000x128xf32, #tpu.memory_space<hbm>>) target(%dma_start3A_346 : memref<16x128xf32, #tpu.memory_space<vmem>>) offsets(%dma_start3A_347 : memref<16xi32, #tpu.memory_space<vmem>>) semaphore(%arg14 : memref<!tpu.dma_semaphore, #tpu.memory_space<semaphore_mem>>)
        } else {
        }
        %mul3A_224 = arith.constant 80 : i32
        %mul3A_225 = arith.muli %add3A_201, %mul3A_224 : i32
        %add3A_226 = arith.constant 0 : i32
        %add3A_227 = arith.addi %mul3A_225, %add3A_226 : i32
        %dma_wait3A = arith.constant 0 : i32
        %dma_wait3A_228 = arith.constant 0 : i32
        %dma_wait3A_229 = tpu.memref_slice %arg11[%dma_wait3A, %dma_wait3A_228] : memref<80x128xf32, #tpu.memory_space<vmem>> -> memref<16x128xf32, #tpu.memory_space<vmem>>
        %dma_wait3A_230 = tpu.memref_slice %arg6[%add3A_227] : memref<10080xi32, #tpu.memory_space<vmem>> -> memref<16xi32, #tpu.memory_space<vmem>>
        %dma_wait3A_231 = arith.constant 0 : i32
        %dma_wait3A_232 = arith.constant 0 : i32
        %dma_wait3A_233 = tpu.memref_slice %arg3[%dma_wait3A_231, %dma_wait3A_232] : memref<10000x128xf32, #tpu.memory_space<hbm>> -> memref<10000x128xf32, #tpu.memory_space<hbm>>
        tpu.wait_indirect_dma semaphore(%arg15 : memref<!tpu.dma_semaphore, #tpu.memory_space<semaphore_mem>>) src(%dma_wait3A_233 : memref<10000x128xf32, #tpu.memory_space<hbm>>) dst(%dma_wait3A_229 : memref<16x128xf32, #tpu.memory_space<vmem>>)
        %mul3A_234 = arith.constant 80 : i32
        %mul3A_235 = arith.muli %add3A_201, %mul3A_234 : i32
        %add3A_236 = arith.constant 16 : i32
        %add3A_237 = arith.addi %mul3A_235, %add3A_236 : i32
        %dma_wait3A_238 = arith.constant 16 : i32
        %dma_wait3A_239 = arith.constant 0 : i32
        %dma_wait3A_240 = tpu.memref_slice %arg11[%dma_wait3A_238, %dma_wait3A_239] : memref<80x128xf32, #tpu.memory_space<vmem>> -> memref<16x128xf32, #tpu.memory_space<vmem>>
        %dma_wait3A_241 = tpu.memref_slice %arg6[%add3A_237] : memref<10080xi32, #tpu.memory_space<vmem>> -> memref<16xi32, #tpu.memory_space<vmem>>
        %dma_wait3A_242 = arith.constant 0 : i32
        %dma_wait3A_243 = arith.constant 0 : i32
        %dma_wait3A_244 = tpu.memref_slice %arg3[%dma_wait3A_242, %dma_wait3A_243] : memref<10000x128xf32, #tpu.memory_space<hbm>> -> memref<10000x128xf32, #tpu.memory_space<hbm>>
        tpu.wait_indirect_dma semaphore(%arg15 : memref<!tpu.dma_semaphore, #tpu.memory_space<semaphore_mem>>) src(%dma_wait3A_244 : memref<10000x128xf32, #tpu.memory_space<hbm>>) dst(%dma_wait3A_240 : memref<16x128xf32, #tpu.memory_space<vmem>>)
        %mul3A_245 = arith.constant 80 : i32
        %mul3A_246 = arith.muli %add3A_201, %mul3A_245 : i32
        %add3A_247 = arith.constant 32 : i32
        %add3A_248 = arith.addi %mul3A_246, %add3A_247 : i32
        %dma_wait3A_249 = arith.constant 32 : i32
        %dma_wait3A_250 = arith.constant 0 : i32
        %dma_wait3A_251 = tpu.memref_slice %arg11[%dma_wait3A_249, %dma_wait3A_250] : memref<80x128xf32, #tpu.memory_space<vmem>> -> memref<16x128xf32, #tpu.memory_space<vmem>>
        %dma_wait3A_252 = tpu.memref_slice %arg6[%add3A_248] : memref<10080xi32, #tpu.memory_space<vmem>> -> memref<16xi32, #tpu.memory_space<vmem>>
        %dma_wait3A_253 = arith.constant 0 : i32
        %dma_wait3A_254 = arith.constant 0 : i32
        %dma_wait3A_255 = tpu.memref_slice %arg3[%dma_wait3A_253, %dma_wait3A_254] : memref<10000x128xf32, #tpu.memory_space<hbm>> -> memref<10000x128xf32, #tpu.memory_space<hbm>>
        tpu.wait_indirect_dma semaphore(%arg15 : memref<!tpu.dma_semaphore, #tpu.memory_space<semaphore_mem>>) src(%dma_wait3A_255 : memref<10000x128xf32, #tpu.memory_space<hbm>>) dst(%dma_wait3A_251 : memref<16x128xf32, #tpu.memory_space<vmem>>)
        %mul3A_256 = arith.constant 80 : i32
        %mul3A_257 = arith.muli %add3A_201, %mul3A_256 : i32
        %add3A_258 = arith.constant 48 : i32
        %add3A_259 = arith.addi %mul3A_257, %add3A_258 : i32
        %dma_wait3A_260 = arith.constant 48 : i32
        %dma_wait3A_261 = arith.constant 0 : i32
        %dma_wait3A_262 = tpu.memref_slice %arg11[%dma_wait3A_260, %dma_wait3A_261] : memref<80x128xf32, #tpu.memory_space<vmem>> -> memref<16x128xf32, #tpu.memory_space<vmem>>
        %dma_wait3A_263 = tpu.memref_slice %arg6[%add3A_259] : memref<10080xi32, #tpu.memory_space<vmem>> -> memref<16xi32, #tpu.memory_space<vmem>>
        %dma_wait3A_264 = arith.constant 0 : i32
        %dma_wait3A_265 = arith.constant 0 : i32
        %dma_wait3A_266 = tpu.memref_slice %arg3[%dma_wait3A_264, %dma_wait3A_265] : memref<10000x128xf32, #tpu.memory_space<hbm>> -> memref<10000x128xf32, #tpu.memory_space<hbm>>
        tpu.wait_indirect_dma semaphore(%arg15 : memref<!tpu.dma_semaphore, #tpu.memory_space<semaphore_mem>>) src(%dma_wait3A_266 : memref<10000x128xf32, #tpu.memory_space<hbm>>) dst(%dma_wait3A_262 : memref<16x128xf32, #tpu.memory_space<vmem>>)
        %mul3A_267 = arith.constant 80 : i32
        %mul3A_268 = arith.muli %add3A_201, %mul3A_267 : i32
        %add3A_269 = arith.constant 64 : i32
        %add3A_270 = arith.addi %mul3A_268, %add3A_269 : i32
        %dma_wait3A_271 = arith.constant 64 : i32
        %dma_wait3A_272 = arith.constant 0 : i32
        %dma_wait3A_273 = tpu.memref_slice %arg11[%dma_wait3A_271, %dma_wait3A_272] : memref<80x128xf32, #tpu.memory_space<vmem>> -> memref<16x128xf32, #tpu.memory_space<vmem>>
        %dma_wait3A_274 = tpu.memref_slice %arg6[%add3A_270] : memref<10080xi32, #tpu.memory_space<vmem>> -> memref<16xi32, #tpu.memory_space<vmem>>
        %dma_wait3A_275 = arith.constant 0 : i32
        %dma_wait3A_276 = arith.constant 0 : i32
        %dma_wait3A_277 = tpu.memref_slice %arg3[%dma_wait3A_275, %dma_wait3A_276] : memref<10000x128xf32, #tpu.memory_space<hbm>> -> memref<10000x128xf32, #tpu.memory_space<hbm>>
        tpu.wait_indirect_dma semaphore(%arg15 : memref<!tpu.dma_semaphore, #tpu.memory_space<semaphore_mem>>) src(%dma_wait3A_277 : memref<10000x128xf32, #tpu.memory_space<hbm>>) dst(%dma_wait3A_273 : memref<16x128xf32, #tpu.memory_space<vmem>>)
        %dma_wait3A_278 = arith.constant 0 : i32
        %dma_wait3A_279 = tpu.memref_slice %arg2[%dma_wait3A_278] : memref<640000xi32, #tpu.memory_space<hbm>> -> memref<80xi32, #tpu.memory_space<hbm>>
        %dma_wait3A_280 = arith.constant 0 : i32
        %dma_wait3A_281 = tpu.memref_slice %arg2[%dma_wait3A_280] : memref<640000xi32, #tpu.memory_space<hbm>> -> memref<80xi32, #tpu.memory_space<hbm>>
        tpu.wait_dma2 semaphore(%arg21 : memref<!tpu.dma_semaphore, #tpu.memory_space<semaphore_mem>>) src(%dma_wait3A_281 : memref<80xi32, #tpu.memory_space<hbm>>) dst(%arg8 : memref<80xi32, #tpu.memory_space<vmem>>)
        %dma_start3A_282 = arith.constant 0 : i32
        %dma_start3A_283 = arith.constant 0 : i32
        %dma_start3A_284 = tpu.memref_slice %arg13[%dma_start3A_282, %dma_start3A_283] : memref<10000x128xf32, #tpu.memory_space<vmem_shared>> -> memref<10000x128xf32, #tpu.memory_space<vmem_shared>>
        tpu.enqueue_indirect_dma source(%arg11 : memref<80x128xf32, #tpu.memory_space<vmem>>) target(%dma_start3A_284 : memref<10000x128xf32, #tpu.memory_space<vmem_shared>>) offsets(%arg8 : memref<80xi32, #tpu.memory_space<vmem>>) semaphore(%arg18 : memref<!tpu.dma_semaphore, #tpu.memory_space<semaphore_mem>>) {add = true}
      } else {
      }
      %mul3A_206 = arith.constant 3 : i32
      %mul3A_207 = arith.muli %scan3A_189, %mul3A_206 : i32
      %add3A_208 = arith.constant 2 : i32
      %add3A_209 = arith.addi %mul3A_207, %add3A_208 : i32
      %lt3A_210 = arith.cmpi slt, %add3A_209, %add3A_10 : i32
      %convert_element_type3A_211 = arith.extui %lt3A_210 : i1 to i32
      %cond3A_212 = arith.constant 0 : i32
      %cond3A_213 = arith.cmpi ne, %convert_element_type3A_211, %cond3A_212 : i32
      scf.if %cond3A_213 {
        %ge3A = arith.constant 1 : i32
        %ge3A_214 = arith.cmpi sge, %add3A_209, %ge3A : i32
        %convert_element_type3A_215 = arith.extui %ge3A_214 : i1 to i32
        %cond3A_216 = arith.constant 0 : i32
        %cond3A_217 = arith.cmpi ne, %convert_element_type3A_215, %cond3A_216 : i32
        scf.if %cond3A_217 {
          %dma_wait3A_285 = arith.constant 0 : i32
          %dma_wait3A_286 = arith.constant 0 : i32
          %dma_wait3A_287 = tpu.memref_slice %arg13[%dma_wait3A_285, %dma_wait3A_286] : memref<10000x128xf32, #tpu.memory_space<vmem_shared>> -> memref<10000x128xf32, #tpu.memory_space<vmem_shared>>
          tpu.wait_indirect_dma semaphore(%arg18 : memref<!tpu.dma_semaphore, #tpu.memory_space<semaphore_mem>>) src(%arg11 : memref<80x128xf32, #tpu.memory_space<vmem>>) dst(%dma_wait3A_287 : memref<10000x128xf32, #tpu.memory_space<vmem_shared>>)
        } else {
        }
        %add3A_218 = arith.constant 2 : i32
        %add3A_219 = arith.addi %add3A_209, %add3A_218 : i32
        %lt3A_220 = arith.cmpi slt, %add3A_219, %add3A_10 : i32
        %convert_element_type3A_221 = arith.extui %lt3A_220 : i1 to i32
        %cond3A_222 = arith.constant 0 : i32
        %cond3A_223 = arith.cmpi ne, %convert_element_type3A_221, %cond3A_222 : i32
        scf.if %cond3A_223 {
          %add3A_285 = arith.constant 2 : i32
          %add3A_286 = arith.addi %add3A_209, %add3A_285 : i32
          %add3A_287 = arith.addi %add3A_6, %add3A_286 : i32
          %mul3A_288 = arith.constant 80 : i32
          %mul3A_289 = arith.muli %add3A_287, %mul3A_288 : i32
          %add3A_290 = arith.constant 320000 : i32
          %add3A_291 = arith.addi %add3A_290, %mul3A_289 : i32
          %dma_start3A_292 = tpu.memref_slice %arg2[%add3A_291] : memref<640000xi32, #tpu.memory_space<hbm>> -> memref<80xi32, #tpu.memory_space<hbm>>
          %dma_start3A_293 = tpu.memref_slice %arg2[%add3A_291] : memref<640000xi32, #tpu.memory_space<hbm>> -> memref<80xi32, #tpu.memory_space<hbm>>
          tpu.enqueue_dma source(%dma_start3A_293 : memref<80xi32, #tpu.memory_space<hbm>>) target(%arg8 : memref<80xi32, #tpu.memory_space<vmem>>) target_semaphore(%arg21 : memref<!tpu.dma_semaphore, #tpu.memory_space<semaphore_mem>>)
          %add3A_294 = arith.constant 2 : i32
          %add3A_295 = arith.addi %add3A_209, %add3A_294 : i32
          %mul3A_296 = arith.constant 80 : i32
          %mul3A_297 = arith.muli %add3A_295, %mul3A_296 : i32
          %add3A_298 = arith.constant 0 : i32
          %add3A_299 = arith.addi %mul3A_297, %add3A_298 : i32
          %dma_start3A_300 = arith.constant 0 : i32
          %dma_start3A_301 = arith.constant 0 : i32
          %dma_start3A_302 = tpu.memref_slice %arg11[%dma_start3A_300, %dma_start3A_301] : memref<80x128xf32, #tpu.memory_space<vmem>> -> memref<16x128xf32, #tpu.memory_space<vmem>>
          %dma_start3A_303 = tpu.memref_slice %arg6[%add3A_299] : memref<10080xi32, #tpu.memory_space<vmem>> -> memref<16xi32, #tpu.memory_space<vmem>>
          %dma_start3A_304 = arith.constant 0 : i32
          %dma_start3A_305 = arith.constant 0 : i32
          %dma_start3A_306 = tpu.memref_slice %arg3[%dma_start3A_304, %dma_start3A_305] : memref<10000x128xf32, #tpu.memory_space<hbm>> -> memref<10000x128xf32, #tpu.memory_space<hbm>>
          tpu.enqueue_indirect_dma source(%dma_start3A_306 : memref<10000x128xf32, #tpu.memory_space<hbm>>) target(%dma_start3A_302 : memref<16x128xf32, #tpu.memory_space<vmem>>) offsets(%dma_start3A_303 : memref<16xi32, #tpu.memory_space<vmem>>) semaphore(%arg15 : memref<!tpu.dma_semaphore, #tpu.memory_space<semaphore_mem>>)
          %mul3A_307 = arith.constant 80 : i32
          %mul3A_308 = arith.muli %add3A_295, %mul3A_307 : i32
          %add3A_309 = arith.constant 16 : i32
          %add3A_310 = arith.addi %mul3A_308, %add3A_309 : i32
          %dma_start3A_311 = arith.constant 16 : i32
          %dma_start3A_312 = arith.constant 0 : i32
          %dma_start3A_313 = tpu.memref_slice %arg11[%dma_start3A_311, %dma_start3A_312] : memref<80x128xf32, #tpu.memory_space<vmem>> -> memref<16x128xf32, #tpu.memory_space<vmem>>
          %dma_start3A_314 = tpu.memref_slice %arg6[%add3A_310] : memref<10080xi32, #tpu.memory_space<vmem>> -> memref<16xi32, #tpu.memory_space<vmem>>
          %dma_start3A_315 = arith.constant 0 : i32
          %dma_start3A_316 = arith.constant 0 : i32
          %dma_start3A_317 = tpu.memref_slice %arg3[%dma_start3A_315, %dma_start3A_316] : memref<10000x128xf32, #tpu.memory_space<hbm>> -> memref<10000x128xf32, #tpu.memory_space<hbm>>
          tpu.enqueue_indirect_dma source(%dma_start3A_317 : memref<10000x128xf32, #tpu.memory_space<hbm>>) target(%dma_start3A_313 : memref<16x128xf32, #tpu.memory_space<vmem>>) offsets(%dma_start3A_314 : memref<16xi32, #tpu.memory_space<vmem>>) semaphore(%arg15 : memref<!tpu.dma_semaphore, #tpu.memory_space<semaphore_mem>>)
          %mul3A_318 = arith.constant 80 : i32
          %mul3A_319 = arith.muli %add3A_295, %mul3A_318 : i32
          %add3A_320 = arith.constant 32 : i32
          %add3A_321 = arith.addi %mul3A_319, %add3A_320 : i32
          %dma_start3A_322 = arith.constant 32 : i32
          %dma_start3A_323 = arith.constant 0 : i32
          %dma_start3A_324 = tpu.memref_slice %arg11[%dma_start3A_322, %dma_start3A_323] : memref<80x128xf32, #tpu.memory_space<vmem>> -> memref<16x128xf32, #tpu.memory_space<vmem>>
          %dma_start3A_325 = tpu.memref_slice %arg6[%add3A_321] : memref<10080xi32, #tpu.memory_space<vmem>> -> memref<16xi32, #tpu.memory_space<vmem>>
          %dma_start3A_326 = arith.constant 0 : i32
          %dma_start3A_327 = arith.constant 0 : i32
          %dma_start3A_328 = tpu.memref_slice %arg3[%dma_start3A_326, %dma_start3A_327] : memref<10000x128xf32, #tpu.memory_space<hbm>> -> memref<10000x128xf32, #tpu.memory_space<hbm>>
          tpu.enqueue_indirect_dma source(%dma_start3A_328 : memref<10000x128xf32, #tpu.memory_space<hbm>>) target(%dma_start3A_324 : memref<16x128xf32, #tpu.memory_space<vmem>>) offsets(%dma_start3A_325 : memref<16xi32, #tpu.memory_space<vmem>>) semaphore(%arg15 : memref<!tpu.dma_semaphore, #tpu.memory_space<semaphore_mem>>)
          %mul3A_329 = arith.constant 80 : i32
          %mul3A_330 = arith.muli %add3A_295, %mul3A_329 : i32
          %add3A_331 = arith.constant 48 : i32
          %add3A_332 = arith.addi %mul3A_330, %add3A_331 : i32
          %dma_start3A_333 = arith.constant 48 : i32
          %dma_start3A_334 = arith.constant 0 : i32
          %dma_start3A_335 = tpu.memref_slice %arg11[%dma_start3A_333, %dma_start3A_334] : memref<80x128xf32, #tpu.memory_space<vmem>> -> memref<16x128xf32, #tpu.memory_space<vmem>>
          %dma_start3A_336 = tpu.memref_slice %arg6[%add3A_332] : memref<10080xi32, #tpu.memory_space<vmem>> -> memref<16xi32, #tpu.memory_space<vmem>>
          %dma_start3A_337 = arith.constant 0 : i32
          %dma_start3A_338 = arith.constant 0 : i32
          %dma_start3A_339 = tpu.memref_slice %arg3[%dma_start3A_337, %dma_start3A_338] : memref<10000x128xf32, #tpu.memory_space<hbm>> -> memref<10000x128xf32, #tpu.memory_space<hbm>>
          tpu.enqueue_indirect_dma source(%dma_start3A_339 : memref<10000x128xf32, #tpu.memory_space<hbm>>) target(%dma_start3A_335 : memref<16x128xf32, #tpu.memory_space<vmem>>) offsets(%dma_start3A_336 : memref<16xi32, #tpu.memory_space<vmem>>) semaphore(%arg15 : memref<!tpu.dma_semaphore, #tpu.memory_space<semaphore_mem>>)
          %mul3A_340 = arith.constant 80 : i32
          %mul3A_341 = arith.muli %add3A_295, %mul3A_340 : i32
          %add3A_342 = arith.constant 64 : i32
          %add3A_343 = arith.addi %mul3A_341, %add3A_342 : i32
          %dma_start3A_344 = arith.constant 64 : i32
          %dma_start3A_345 = arith.constant 0 : i32
          %dma_start3A_346 = tpu.memref_slice %arg11[%dma_start3A_344, %dma_start3A_345] : memref<80x128xf32, #tpu.memory_space<vmem>> -> memref<16x128xf32, #tpu.memory_space<vmem>>
          %dma_start3A_347 = tpu.memref_slice %arg6[%add3A_343] : memref<10080xi32, #tpu.memory_space<vmem>> -> memref<16xi32, #tpu.memory_space<vmem>>
          %dma_start3A_348 = arith.constant 0 : i32
          %dma_start3A_349 = arith.constant 0 : i32
          %dma_start3A_350 = tpu.memref_slice %arg3[%dma_start3A_348, %dma_start3A_349] : memref<10000x128xf32, #tpu.memory_space<hbm>> -> memref<10000x128xf32, #tpu.memory_space<hbm>>
          tpu.enqueue_indirect_dma source(%dma_start3A_350 : memref<10000x128xf32, #tpu.memory_space<hbm>>) target(%dma_start3A_346 : memref<16x128xf32, #tpu.memory_space<vmem>>) offsets(%dma_start3A_347 : memref<16xi32, #tpu.memory_space<vmem>>) semaphore(%arg15 : memref<!tpu.dma_semaphore, #tpu.memory_space<semaphore_mem>>)
        } else {
        }
        %mul3A_224 = arith.constant 80 : i32
        %mul3A_225 = arith.muli %add3A_209, %mul3A_224 : i32
        %add3A_226 = arith.constant 0 : i32
        %add3A_227 = arith.addi %mul3A_225, %add3A_226 : i32
        %dma_wait3A = arith.constant 0 : i32
        %dma_wait3A_228 = arith.constant 0 : i32
        %dma_wait3A_229 = tpu.memref_slice %arg12[%dma_wait3A, %dma_wait3A_228] : memref<80x128xf32, #tpu.memory_space<vmem>> -> memref<16x128xf32, #tpu.memory_space<vmem>>
        %dma_wait3A_230 = tpu.memref_slice %arg6[%add3A_227] : memref<10080xi32, #tpu.memory_space<vmem>> -> memref<16xi32, #tpu.memory_space<vmem>>
        %dma_wait3A_231 = arith.constant 0 : i32
        %dma_wait3A_232 = arith.constant 0 : i32
        %dma_wait3A_233 = tpu.memref_slice %arg3[%dma_wait3A_231, %dma_wait3A_232] : memref<10000x128xf32, #tpu.memory_space<hbm>> -> memref<10000x128xf32, #tpu.memory_space<hbm>>
        tpu.wait_indirect_dma semaphore(%arg16 : memref<!tpu.dma_semaphore, #tpu.memory_space<semaphore_mem>>) src(%dma_wait3A_233 : memref<10000x128xf32, #tpu.memory_space<hbm>>) dst(%dma_wait3A_229 : memref<16x128xf32, #tpu.memory_space<vmem>>)
        %mul3A_234 = arith.constant 80 : i32
        %mul3A_235 = arith.muli %add3A_209, %mul3A_234 : i32
        %add3A_236 = arith.constant 16 : i32
        %add3A_237 = arith.addi %mul3A_235, %add3A_236 : i32
        %dma_wait3A_238 = arith.constant 16 : i32
        %dma_wait3A_239 = arith.constant 0 : i32
        %dma_wait3A_240 = tpu.memref_slice %arg12[%dma_wait3A_238, %dma_wait3A_239] : memref<80x128xf32, #tpu.memory_space<vmem>> -> memref<16x128xf32, #tpu.memory_space<vmem>>
        %dma_wait3A_241 = tpu.memref_slice %arg6[%add3A_237] : memref<10080xi32, #tpu.memory_space<vmem>> -> memref<16xi32, #tpu.memory_space<vmem>>
        %dma_wait3A_242 = arith.constant 0 : i32
        %dma_wait3A_243 = arith.constant 0 : i32
        %dma_wait3A_244 = tpu.memref_slice %arg3[%dma_wait3A_242, %dma_wait3A_243] : memref<10000x128xf32, #tpu.memory_space<hbm>> -> memref<10000x128xf32, #tpu.memory_space<hbm>>
        tpu.wait_indirect_dma semaphore(%arg16 : memref<!tpu.dma_semaphore, #tpu.memory_space<semaphore_mem>>) src(%dma_wait3A_244 : memref<10000x128xf32, #tpu.memory_space<hbm>>) dst(%dma_wait3A_240 : memref<16x128xf32, #tpu.memory_space<vmem>>)
        %mul3A_245 = arith.constant 80 : i32
        %mul3A_246 = arith.muli %add3A_209, %mul3A_245 : i32
        %add3A_247 = arith.constant 32 : i32
        %add3A_248 = arith.addi %mul3A_246, %add3A_247 : i32
        %dma_wait3A_249 = arith.constant 32 : i32
        %dma_wait3A_250 = arith.constant 0 : i32
        %dma_wait3A_251 = tpu.memref_slice %arg12[%dma_wait3A_249, %dma_wait3A_250] : memref<80x128xf32, #tpu.memory_space<vmem>> -> memref<16x128xf32, #tpu.memory_space<vmem>>
        %dma_wait3A_252 = tpu.memref_slice %arg6[%add3A_248] : memref<10080xi32, #tpu.memory_space<vmem>> -> memref<16xi32, #tpu.memory_space<vmem>>
        %dma_wait3A_253 = arith.constant 0 : i32
        %dma_wait3A_254 = arith.constant 0 : i32
        %dma_wait3A_255 = tpu.memref_slice %arg3[%dma_wait3A_253, %dma_wait3A_254] : memref<10000x128xf32, #tpu.memory_space<hbm>> -> memref<10000x128xf32, #tpu.memory_space<hbm>>
        tpu.wait_indirect_dma semaphore(%arg16 : memref<!tpu.dma_semaphore, #tpu.memory_space<semaphore_mem>>) src(%dma_wait3A_255 : memref<10000x128xf32, #tpu.memory_space<hbm>>) dst(%dma_wait3A_251 : memref<16x128xf32, #tpu.memory_space<vmem>>)
        %mul3A_256 = arith.constant 80 : i32
        %mul3A_257 = arith.muli %add3A_209, %mul3A_256 : i32
        %add3A_258 = arith.constant 48 : i32
        %add3A_259 = arith.addi %mul3A_257, %add3A_258 : i32
        %dma_wait3A_260 = arith.constant 48 : i32
        %dma_wait3A_261 = arith.constant 0 : i32
        %dma_wait3A_262 = tpu.memref_slice %arg12[%dma_wait3A_260, %dma_wait3A_261] : memref<80x128xf32, #tpu.memory_space<vmem>> -> memref<16x128xf32, #tpu.memory_space<vmem>>
        %dma_wait3A_263 = tpu.memref_slice %arg6[%add3A_259] : memref<10080xi32, #tpu.memory_space<vmem>> -> memref<16xi32, #tpu.memory_space<vmem>>
        %dma_wait3A_264 = arith.constant 0 : i32
        %dma_wait3A_265 = arith.constant 0 : i32
        %dma_wait3A_266 = tpu.memref_slice %arg3[%dma_wait3A_264, %dma_wait3A_265] : memref<10000x128xf32, #tpu.memory_space<hbm>> -> memref<10000x128xf32, #tpu.memory_space<hbm>>
        tpu.wait_indirect_dma semaphore(%arg16 : memref<!tpu.dma_semaphore, #tpu.memory_space<semaphore_mem>>) src(%dma_wait3A_266 : memref<10000x128xf32, #tpu.memory_space<hbm>>) dst(%dma_wait3A_262 : memref<16x128xf32, #tpu.memory_space<vmem>>)
        %mul3A_267 = arith.constant 80 : i32
        %mul3A_268 = arith.muli %add3A_209, %mul3A_267 : i32
        %add3A_269 = arith.constant 64 : i32
        %add3A_270 = arith.addi %mul3A_268, %add3A_269 : i32
        %dma_wait3A_271 = arith.constant 64 : i32
        %dma_wait3A_272 = arith.constant 0 : i32
        %dma_wait3A_273 = tpu.memref_slice %arg12[%dma_wait3A_271, %dma_wait3A_272] : memref<80x128xf32, #tpu.memory_space<vmem>> -> memref<16x128xf32, #tpu.memory_space<vmem>>
        %dma_wait3A_274 = tpu.memref_slice %arg6[%add3A_270] : memref<10080xi32, #tpu.memory_space<vmem>> -> memref<16xi32, #tpu.memory_space<vmem>>
        %dma_wait3A_275 = arith.constant 0 : i32
        %dma_wait3A_276 = arith.constant 0 : i32
        %dma_wait3A_277 = tpu.memref_slice %arg3[%dma_wait3A_275, %dma_wait3A_276] : memref<10000x128xf32, #tpu.memory_space<hbm>> -> memref<10000x128xf32, #tpu.memory_space<hbm>>
        tpu.wait_indirect_dma semaphore(%arg16 : memref<!tpu.dma_semaphore, #tpu.memory_space<semaphore_mem>>) src(%dma_wait3A_277 : memref<10000x128xf32, #tpu.memory_space<hbm>>) dst(%dma_wait3A_273 : memref<16x128xf32, #tpu.memory_space<vmem>>)
        %dma_wait3A_278 = arith.constant 0 : i32
        %dma_wait3A_279 = tpu.memref_slice %arg2[%dma_wait3A_278] : memref<640000xi32, #tpu.memory_space<hbm>> -> memref<80xi32, #tpu.memory_space<hbm>>
        %dma_wait3A_280 = arith.constant 0 : i32
        %dma_wait3A_281 = tpu.memref_slice %arg2[%dma_wait3A_280] : memref<640000xi32, #tpu.memory_space<hbm>> -> memref<80xi32, #tpu.memory_space<hbm>>
        tpu.wait_dma2 semaphore(%arg22 : memref<!tpu.dma_semaphore, #tpu.memory_space<semaphore_mem>>) src(%dma_wait3A_281 : memref<80xi32, #tpu.memory_space<hbm>>) dst(%arg9 : memref<80xi32, #tpu.memory_space<vmem>>)
        %dma_start3A_282 = arith.constant 0 : i32
        %dma_start3A_283 = arith.constant 0 : i32
        %dma_start3A_284 = tpu.memref_slice %arg13[%dma_start3A_282, %dma_start3A_283] : memref<10000x128xf32, #tpu.memory_space<vmem_shared>> -> memref<10000x128xf32, #tpu.memory_space<vmem_shared>>
        tpu.enqueue_indirect_dma source(%arg12 : memref<80x128xf32, #tpu.memory_space<vmem>>) target(%dma_start3A_284 : memref<10000x128xf32, #tpu.memory_space<vmem_shared>>) offsets(%arg9 : memref<80xi32, #tpu.memory_space<vmem>>) semaphore(%arg19 : memref<!tpu.dma_semaphore, #tpu.memory_space<semaphore_mem>>) {add = true}
      } else {
      }
    }
    %scan3A_116 = arith.constant 42 : i32
    %sub3A = arith.constant 1 : i32
    %sub3A_117 = arith.subi %add3A_10, %sub3A : i32
    %jit3A_118 = arith.constant 3 : i32
    %eq3A_119 = arith.constant 0 : i32
    %eq3A_120 = arith.cmpi eq, %jit3A_118, %eq3A_119 : i32
    %jit3A_121 = arith.constant 1 : i32
    %select_n3A_122 = arith.select %eq3A_120, %jit3A_121, %jit3A_118 : i32
    %rem3A = arith.remsi %sub3A_117, %select_n3A_122 : i32
    %ne3A = arith.constant 0 : i32
    %ne3A_123 = arith.cmpi ne, %rem3A, %ne3A : i32
    %lt3A_124 = arith.constant 0 : i32
    %lt3A_125 = arith.cmpi slt, %rem3A, %lt3A_124 : i32
    %lt3A_126 = arith.constant 0 : i32
    %lt3A_127 = arith.cmpi slt, %select_n3A_122, %lt3A_126 : i32
    %ne3A_128 = arith.xori %lt3A_125, %lt3A_127 : i1
    %and3A = arith.andi %ne3A_128, %ne3A_123 : i1
    %add3A_129 = arith.addi %rem3A, %select_n3A_122 : i32
    %select_n3A_130 = arith.select %and3A, %add3A_129, %rem3A : i32
    %eq3A_131 = arith.constant 0 : i32
    %eq3A_132 = arith.cmpi eq, %select_n3A_130, %eq3A_131 : i32
    %convert_element_type3A_133 = arith.extui %eq3A_132 : i1 to i32
    %cond3A_134 = arith.constant 0 : i32
    %cond3A_135 = arith.cmpi ne, %convert_element_type3A_133, %cond3A_134 : i32
    scf.if %cond3A_135 {
      %dma_wait3A = arith.constant 0 : i32
      %dma_wait3A_189 = arith.constant 0 : i32
      %dma_wait3A_190 = tpu.memref_slice %arg13[%dma_wait3A, %dma_wait3A_189] : memref<10000x128xf32, #tpu.memory_space<vmem_shared>> -> memref<10000x128xf32, #tpu.memory_space<vmem_shared>>
      tpu.wait_indirect_dma semaphore(%arg17 : memref<!tpu.dma_semaphore, #tpu.memory_space<semaphore_mem>>) src(%arg10 : memref<80x128xf32, #tpu.memory_space<vmem>>) dst(%dma_wait3A_190 : memref<10000x128xf32, #tpu.memory_space<vmem_shared>>)
    } else {
    }
    %jit3A_136 = arith.constant 3 : i32
    %eq3A_137 = arith.constant 0 : i32
    %eq3A_138 = arith.cmpi eq, %jit3A_136, %eq3A_137 : i32
    %jit3A_139 = arith.constant 1 : i32
    %select_n3A_140 = arith.select %eq3A_138, %jit3A_139, %jit3A_136 : i32
    %rem3A_141 = arith.remsi %sub3A_117, %select_n3A_140 : i32
    %ne3A_142 = arith.constant 0 : i32
    %ne3A_143 = arith.cmpi ne, %rem3A_141, %ne3A_142 : i32
    %lt3A_144 = arith.constant 0 : i32
    %lt3A_145 = arith.cmpi slt, %rem3A_141, %lt3A_144 : i32
    %lt3A_146 = arith.constant 0 : i32
    %lt3A_147 = arith.cmpi slt, %select_n3A_140, %lt3A_146 : i32
    %ne3A_148 = arith.xori %lt3A_145, %lt3A_147 : i1
    %and3A_149 = arith.andi %ne3A_148, %ne3A_143 : i1
    %add3A_150 = arith.addi %rem3A_141, %select_n3A_140 : i32
    %select_n3A_151 = arith.select %and3A_149, %add3A_150, %rem3A_141 : i32
    %eq3A_152 = arith.constant 1 : i32
    %eq3A_153 = arith.cmpi eq, %select_n3A_151, %eq3A_152 : i32
    %convert_element_type3A_154 = arith.extui %eq3A_153 : i1 to i32
    %cond3A_155 = arith.constant 0 : i32
    %cond3A_156 = arith.cmpi ne, %convert_element_type3A_154, %cond3A_155 : i32
    scf.if %cond3A_156 {
      %dma_wait3A = arith.constant 0 : i32
      %dma_wait3A_189 = arith.constant 0 : i32
      %dma_wait3A_190 = tpu.memref_slice %arg13[%dma_wait3A, %dma_wait3A_189] : memref<10000x128xf32, #tpu.memory_space<vmem_shared>> -> memref<10000x128xf32, #tpu.memory_space<vmem_shared>>
      tpu.wait_indirect_dma semaphore(%arg18 : memref<!tpu.dma_semaphore, #tpu.memory_space<semaphore_mem>>) src(%arg11 : memref<80x128xf32, #tpu.memory_space<vmem>>) dst(%dma_wait3A_190 : memref<10000x128xf32, #tpu.memory_space<vmem_shared>>)
    } else {
    }
    %jit3A_157 = arith.constant 3 : i32
    %eq3A_158 = arith.constant 0 : i32
    %eq3A_159 = arith.cmpi eq, %jit3A_157, %eq3A_158 : i32
    %jit3A_160 = arith.constant 1 : i32
    %select_n3A_161 = arith.select %eq3A_159, %jit3A_160, %jit3A_157 : i32
    %rem3A_162 = arith.remsi %sub3A_117, %select_n3A_161 : i32
    %ne3A_163 = arith.constant 0 : i32
    %ne3A_164 = arith.cmpi ne, %rem3A_162, %ne3A_163 : i32
    %lt3A_165 = arith.constant 0 : i32
    %lt3A_166 = arith.cmpi slt, %rem3A_162, %lt3A_165 : i32
    %lt3A_167 = arith.constant 0 : i32
    %lt3A_168 = arith.cmpi slt, %select_n3A_161, %lt3A_167 : i32
    %ne3A_169 = arith.xori %lt3A_166, %lt3A_168 : i1
    %and3A_170 = arith.andi %ne3A_169, %ne3A_164 : i1
    %add3A_171 = arith.addi %rem3A_162, %select_n3A_161 : i32
    %select_n3A_172 = arith.select %and3A_170, %add3A_171, %rem3A_162 : i32
    %eq3A_173 = arith.constant 2 : i32
    %eq3A_174 = arith.cmpi eq, %select_n3A_172, %eq3A_173 : i32
    %convert_element_type3A_175 = arith.extui %eq3A_174 : i1 to i32
    %cond3A_176 = arith.constant 0 : i32
    %cond3A_177 = arith.cmpi ne, %convert_element_type3A_175, %cond3A_176 : i32
    scf.if %cond3A_177 {
      %dma_wait3A = arith.constant 0 : i32
      %dma_wait3A_189 = arith.constant 0 : i32
      %dma_wait3A_190 = tpu.memref_slice %arg13[%dma_wait3A, %dma_wait3A_189] : memref<10000x128xf32, #tpu.memory_space<vmem_shared>> -> memref<10000x128xf32, #tpu.memory_space<vmem_shared>>
      tpu.wait_indirect_dma semaphore(%arg19 : memref<!tpu.dma_semaphore, #tpu.memory_space<semaphore_mem>>) src(%arg12 : memref<80x128xf32, #tpu.memory_space<vmem>>) dst(%dma_wait3A_190 : memref<10000x128xf32, #tpu.memory_space<vmem_shared>>)
    } else {
    }
    %barrier3A_178 = arith.constant 0 : index
    tpu.barrier barrier_id(%barrier3A_178)
    %eq3A_179 = arith.constant 0 : i32
    %eq3A_180 = arith.cmpi eq, %arg0, %eq3A_179 : i32
    %convert_element_type3A_181 = arith.extui %eq3A_180 : i1 to i32
    %cond3A_182 = arith.constant 0 : i32
    %cond3A_183 = arith.cmpi ne, %convert_element_type3A_181, %cond3A_182 : i32
    scf.if %cond3A_183 {
      %lt3A_189 = arith.constant 15 : i32
      %lt3A_190 = arith.cmpi slt, %arg1, %lt3A_189 : i32
      %convert_element_type3A_191 = arith.extui %lt3A_190 : i1 to i32
      %cond3A_192 = arith.constant 0 : i32
      %cond3A_193 = arith.cmpi ne, %convert_element_type3A_191, %cond3A_192 : i32
      scf.if %cond3A_193 {
        %mul3A_199 = arith.constant 624 : i32
        %mul3A_200 = arith.muli %arg1, %mul3A_199 : i32
        "tpu.region"() ({
          %run_scoped3A = tpu.sem_alloc : memref<!tpu.dma_semaphore, #tpu.memory_space<semaphore_mem>>
          %dma_start3A_201 = arith.constant 0 : i32
          %dma_start3A_202 = tpu.memref_slice %arg4[%mul3A_200, %dma_start3A_201] : memref<10000x128xf32, #tpu.memory_space<hbm>> -> memref<624x128xf32, #tpu.memory_space<hbm>>
          %dma_start3A_203 = arith.constant 0 : i32
          %dma_start3A_204 = tpu.memref_slice %arg13[%mul3A_200, %dma_start3A_203] : memref<10000x128xf32, #tpu.memory_space<vmem_shared>> -> memref<624x128xf32, #tpu.memory_space<vmem_shared>>
          tpu.enqueue_dma source(%dma_start3A_204 : memref<624x128xf32, #tpu.memory_space<vmem_shared>>) target(%dma_start3A_202 : memref<624x128xf32, #tpu.memory_space<hbm>>) target_semaphore(%run_scoped3A : memref<!tpu.dma_semaphore, #tpu.memory_space<semaphore_mem>>)
          %dma_wait3A = arith.constant 0 : i32
          %dma_wait3A_205 = tpu.memref_slice %arg4[%mul3A_200, %dma_wait3A] : memref<10000x128xf32, #tpu.memory_space<hbm>> -> memref<624x128xf32, #tpu.memory_space<hbm>>
          %dma_wait3A_206 = arith.constant 0 : i32
          %dma_wait3A_207 = tpu.memref_slice %arg13[%mul3A_200, %dma_wait3A_206] : memref<10000x128xf32, #tpu.memory_space<vmem_shared>> -> memref<624x128xf32, #tpu.memory_space<vmem_shared>>
          tpu.wait_dma2 semaphore(%run_scoped3A : memref<!tpu.dma_semaphore, #tpu.memory_space<semaphore_mem>>) src(%dma_wait3A_207 : memref<624x128xf32, #tpu.memory_space<vmem_shared>>) dst(%dma_wait3A_205 : memref<624x128xf32, #tpu.memory_space<hbm>>)
          tpu.yield
        }) : () -> ()
      } else {
      }
      %eq3A_194 = arith.constant 15 : i32
      %eq3A_195 = arith.cmpi eq, %arg1, %eq3A_194 : i32
      %convert_element_type3A_196 = arith.extui %eq3A_195 : i1 to i32
      %cond3A_197 = arith.constant 0 : i32
      %cond3A_198 = arith.cmpi ne, %convert_element_type3A_196, %cond3A_197 : i32
      scf.if %cond3A_198 {
        "tpu.region"() ({
          %run_scoped3A = tpu.sem_alloc : memref<!tpu.dma_semaphore, #tpu.memory_space<semaphore_mem>>
          %dma_start3A_199 = arith.constant 9360 : i32
          %dma_start3A_200 = arith.constant 0 : i32
          %dma_start3A_201 = tpu.memref_slice %arg4[%dma_start3A_199, %dma_start3A_200] : memref<10000x128xf32, #tpu.memory_space<hbm>> -> memref<640x128xf32, #tpu.memory_space<hbm>>
          %dma_start3A_202 = arith.constant 9360 : i32
          %dma_start3A_203 = arith.constant 0 : i32
          %dma_start3A_204 = tpu.memref_slice %arg13[%dma_start3A_202, %dma_start3A_203] : memref<10000x128xf32, #tpu.memory_space<vmem_shared>> -> memref<640x128xf32, #tpu.memory_space<vmem_shared>>
          tpu.enqueue_dma source(%dma_start3A_204 : memref<640x128xf32, #tpu.memory_space<vmem_shared>>) target(%dma_start3A_201 : memref<640x128xf32, #tpu.memory_space<hbm>>) target_semaphore(%run_scoped3A : memref<!tpu.dma_semaphore, #tpu.memory_space<semaphore_mem>>)
          %dma_wait3A = arith.constant 9360 : i32
          %dma_wait3A_205 = arith.constant 0 : i32
          %dma_wait3A_206 = tpu.memref_slice %arg4[%dma_wait3A, %dma_wait3A_205] : memref<10000x128xf32, #tpu.memory_space<hbm>> -> memref<640x128xf32, #tpu.memory_space<hbm>>
          %dma_wait3A_207 = arith.constant 9360 : i32
          %dma_wait3A_208 = arith.constant 0 : i32
          %dma_wait3A_209 = tpu.memref_slice %arg13[%dma_wait3A_207, %dma_wait3A_208] : memref<10000x128xf32, #tpu.memory_space<vmem_shared>> -> memref<640x128xf32, #tpu.memory_space<vmem_shared>>
          tpu.wait_dma2 semaphore(%run_scoped3A : memref<!tpu.dma_semaphore, #tpu.memory_space<semaphore_mem>>) src(%dma_wait3A_209 : memref<640x128xf32, #tpu.memory_space<vmem_shared>>) dst(%dma_wait3A_206 : memref<640x128xf32, #tpu.memory_space<hbm>>)
          tpu.yield
        }) : () -> ()
      } else {
      }
    } else {
    }
    %eq3A_184 = arith.constant 1 : i32
    %eq3A_185 = arith.cmpi eq, %arg0, %eq3A_184 : i32
    %convert_element_type3A_186 = arith.extui %eq3A_185 : i1 to i32
    %cond3A_187 = arith.constant 0 : i32
    %cond3A_188 = arith.cmpi ne, %convert_element_type3A_186, %cond3A_187 : i32
    scf.if %cond3A_188 {
      %lt3A_189 = arith.constant 15 : i32
      %lt3A_190 = arith.cmpi slt, %arg1, %lt3A_189 : i32
      %convert_element_type3A_191 = arith.extui %lt3A_190 : i1 to i32
      %cond3A_192 = arith.constant 0 : i32
      %cond3A_193 = arith.cmpi ne, %convert_element_type3A_191, %cond3A_192 : i32
      scf.if %cond3A_193 {
        %mul3A_199 = arith.constant 624 : i32
        %mul3A_200 = arith.muli %arg1, %mul3A_199 : i32
        "tpu.region"() ({
          %run_scoped3A = tpu.sem_alloc : memref<!tpu.dma_semaphore, #tpu.memory_space<semaphore_mem>>
          %dma_start3A_201 = arith.constant 0 : i32
          %dma_start3A_202 = tpu.memref_slice %arg5[%mul3A_200, %dma_start3A_201] : memref<10000x128xf32, #tpu.memory_space<hbm>> -> memref<624x128xf32, #tpu.memory_space<hbm>>
          %dma_start3A_203 = arith.constant 0 : i32
          %dma_start3A_204 = tpu.memref_slice %arg13[%mul3A_200, %dma_start3A_203] : memref<10000x128xf32, #tpu.memory_space<vmem_shared>> -> memref<624x128xf32, #tpu.memory_space<vmem_shared>>
          tpu.enqueue_dma source(%dma_start3A_204 : memref<624x128xf32, #tpu.memory_space<vmem_shared>>) target(%dma_start3A_202 : memref<624x128xf32, #tpu.memory_space<hbm>>) target_semaphore(%run_scoped3A : memref<!tpu.dma_semaphore, #tpu.memory_space<semaphore_mem>>)
          %dma_wait3A = arith.constant 0 : i32
          %dma_wait3A_205 = tpu.memref_slice %arg5[%mul3A_200, %dma_wait3A] : memref<10000x128xf32, #tpu.memory_space<hbm>> -> memref<624x128xf32, #tpu.memory_space<hbm>>
          %dma_wait3A_206 = arith.constant 0 : i32
          %dma_wait3A_207 = tpu.memref_slice %arg13[%mul3A_200, %dma_wait3A_206] : memref<10000x128xf32, #tpu.memory_space<vmem_shared>> -> memref<624x128xf32, #tpu.memory_space<vmem_shared>>
          tpu.wait_dma2 semaphore(%run_scoped3A : memref<!tpu.dma_semaphore, #tpu.memory_space<semaphore_mem>>) src(%dma_wait3A_207 : memref<624x128xf32, #tpu.memory_space<vmem_shared>>) dst(%dma_wait3A_205 : memref<624x128xf32, #tpu.memory_space<hbm>>)
          tpu.yield
        }) : () -> ()
      } else {
      }
      %eq3A_194 = arith.constant 15 : i32
      %eq3A_195 = arith.cmpi eq, %arg1, %eq3A_194 : i32
      %convert_element_type3A_196 = arith.extui %eq3A_195 : i1 to i32
      %cond3A_197 = arith.constant 0 : i32
      %cond3A_198 = arith.cmpi ne, %convert_element_type3A_196, %cond3A_197 : i32
      scf.if %cond3A_198 {
        "tpu.region"() ({
          %run_scoped3A = tpu.sem_alloc : memref<!tpu.dma_semaphore, #tpu.memory_space<semaphore_mem>>
          %dma_start3A_199 = arith.constant 9360 : i32
          %dma_start3A_200 = arith.constant 0 : i32
          %dma_start3A_201 = tpu.memref_slice %arg5[%dma_start3A_199, %dma_start3A_200] : memref<10000x128xf32, #tpu.memory_space<hbm>> -> memref<640x128xf32, #tpu.memory_space<hbm>>
          %dma_start3A_202 = arith.constant 9360 : i32
          %dma_start3A_203 = arith.constant 0 : i32
          %dma_start3A_204 = tpu.memref_slice %arg13[%dma_start3A_202, %dma_start3A_203] : memref<10000x128xf32, #tpu.memory_space<vmem_shared>> -> memref<640x128xf32, #tpu.memory_space<vmem_shared>>
          tpu.enqueue_dma source(%dma_start3A_204 : memref<640x128xf32, #tpu.memory_space<vmem_shared>>) target(%dma_start3A_201 : memref<640x128xf32, #tpu.memory_space<hbm>>) target_semaphore(%run_scoped3A : memref<!tpu.dma_semaphore, #tpu.memory_space<semaphore_mem>>)
          %dma_wait3A = arith.constant 9360 : i32
          %dma_wait3A_205 = arith.constant 0 : i32
          %dma_wait3A_206 = tpu.memref_slice %arg5[%dma_wait3A, %dma_wait3A_205] : memref<10000x128xf32, #tpu.memory_space<hbm>> -> memref<640x128xf32, #tpu.memory_space<hbm>>
          %dma_wait3A_207 = arith.constant 9360 : i32
          %dma_wait3A_208 = arith.constant 0 : i32
          %dma_wait3A_209 = tpu.memref_slice %arg13[%dma_wait3A_207, %dma_wait3A_208] : memref<10000x128xf32, #tpu.memory_space<vmem_shared>> -> memref<640x128xf32, #tpu.memory_space<vmem_shared>>
          tpu.wait_dma2 semaphore(%run_scoped3A : memref<!tpu.dma_semaphore, #tpu.memory_space<semaphore_mem>>) src(%dma_wait3A_209 : memref<640x128xf32, #tpu.memory_space<vmem_shared>>) dst(%dma_wait3A_206 : memref<640x128xf32, #tpu.memory_space<hbm>>)
          tpu.yield
        }) : () -> ()
      } else {
      }
    } else {
    }
    return
  }
}

#map = affine_map<(d0, d1) -> (0)>
module attributes {stable_mosaic.version = 14 : i64} {
  func.func @k(%arg0: i32, %arg1: i32, %arg2: memref<640000xi32, #tpu.memory_space<hbm>>, %arg3: memref<10000xf32, #tpu.memory_space<hbm>>, %arg4: memref<10000xf32, #tpu.memory_space<hbm>>, %arg5: memref<10000xf32, #tpu.memory_space<hbm>>, %arg6: memref<10080xi32, #tpu.memory_space<vmem>>, %arg7: memref<80xi32, #tpu.memory_space<vmem>>, %arg8: memref<80xi32, #tpu.memory_space<vmem>>, %arg9: memref<80xf32, #tpu.memory_space<vmem>>, %arg10: memref<10000xf32, #tpu.memory_space<vmem_shared>>, %arg11: memref<!tpu.dma_semaphore, #tpu.memory_space<semaphore_mem>>, %arg12: memref<!tpu.dma_semaphore, #tpu.memory_space<semaphore_mem>>) attributes {dimension_semantics = [#tpu.dimension_semantics<core_parallel>, #tpu.dimension_semantics<subcore_parallel>], iteration_bounds = array<i64: 2, 16>, scalar_prefetch = 0 : i64, scratch_operands = 7 : i64, tpu.core_type = #tpu.core_type<sc_vector_subcore>, window_params = [{transform_indices = #map}, {transform_indices = #map}, {transform_indices = #map}, {transform_indices = #map}]} {
    %broadcast_in_dim3A = arith.constant 1.000000e+00 : f32
    %broadcast_in_dim3A_0 = vector.broadcast %broadcast_in_dim3A : f32 to vector<16xf32>
    %swap3A = arith.constant 0 : index
    %swap3A_1 = tpu.vector_load %arg9[%swap3A] {strides = array<i32>} : memref<80xf32, #tpu.memory_space<vmem>>, vector<16xf32>,
    %swap3A_2 = vector.shape_cast %swap3A_1 : vector<16xf32> to vector<16xf32>
    %swap3A_3 = vector.shape_cast %broadcast_in_dim3A_0 : vector<16xf32> to vector<16xf32>
    tpu.vector_store %arg9[%swap3A], %swap3A_3 {strides = array<i32>} : memref<80xf32, #tpu.memory_space<vmem>>, vector<16xf32>,
    %broadcast_in_dim3A_4 = arith.constant 1.000000e+00 : f32
    %broadcast_in_dim3A_5 = vector.broadcast %broadcast_in_dim3A_4 : f32 to vector<16xf32>
    %swap3A_6 = arith.constant 16 : index
    %swap3A_7 = tpu.vector_load %arg9[%swap3A_6] {strides = array<i32>} : memref<80xf32, #tpu.memory_space<vmem>>, vector<16xf32>,
    %swap3A_8 = vector.shape_cast %swap3A_7 : vector<16xf32> to vector<16xf32>
    %swap3A_9 = vector.shape_cast %broadcast_in_dim3A_5 : vector<16xf32> to vector<16xf32>
    tpu.vector_store %arg9[%swap3A_6], %swap3A_9 {strides = array<i32>} : memref<80xf32, #tpu.memory_space<vmem>>, vector<16xf32>,
    %broadcast_in_dim3A_10 = arith.constant 1.000000e+00 : f32
    %broadcast_in_dim3A_11 = vector.broadcast %broadcast_in_dim3A_10 : f32 to vector<16xf32>
    %swap3A_12 = arith.constant 32 : index
    %swap3A_13 = tpu.vector_load %arg9[%swap3A_12] {strides = array<i32>} : memref<80xf32, #tpu.memory_space<vmem>>, vector<16xf32>,
    %swap3A_14 = vector.shape_cast %swap3A_13 : vector<16xf32> to vector<16xf32>
    %swap3A_15 = vector.shape_cast %broadcast_in_dim3A_11 : vector<16xf32> to vector<16xf32>
    tpu.vector_store %arg9[%swap3A_12], %swap3A_15 {strides = array<i32>} : memref<80xf32, #tpu.memory_space<vmem>>, vector<16xf32>,
    %broadcast_in_dim3A_16 = arith.constant 1.000000e+00 : f32
    %broadcast_in_dim3A_17 = vector.broadcast %broadcast_in_dim3A_16 : f32 to vector<16xf32>
    %swap3A_18 = arith.constant 48 : index
    %swap3A_19 = tpu.vector_load %arg9[%swap3A_18] {strides = array<i32>} : memref<80xf32, #tpu.memory_space<vmem>>, vector<16xf32>,
    %swap3A_20 = vector.shape_cast %swap3A_19 : vector<16xf32> to vector<16xf32>
    %swap3A_21 = vector.shape_cast %broadcast_in_dim3A_17 : vector<16xf32> to vector<16xf32>
    tpu.vector_store %arg9[%swap3A_18], %swap3A_21 {strides = array<i32>} : memref<80xf32, #tpu.memory_space<vmem>>, vector<16xf32>,
    %broadcast_in_dim3A_22 = arith.constant 1.000000e+00 : f32
    %broadcast_in_dim3A_23 = vector.broadcast %broadcast_in_dim3A_22 : f32 to vector<16xf32>
    %swap3A_24 = arith.constant 64 : index
    %swap3A_25 = tpu.vector_load %arg9[%swap3A_24] {strides = array<i32>} : memref<80xf32, #tpu.memory_space<vmem>>, vector<16xf32>,
    %swap3A_26 = vector.shape_cast %swap3A_25 : vector<16xf32> to vector<16xf32>
    %swap3A_27 = vector.shape_cast %broadcast_in_dim3A_23 : vector<16xf32> to vector<16xf32>
    tpu.vector_store %arg9[%swap3A_24], %swap3A_27 {strides = array<i32>} : memref<80xf32, #tpu.memory_space<vmem>>, vector<16xf32>,
    %eq3A = arith.constant 0 : i32
    %eq3A_28 = arith.cmpi eq, %arg1, %eq3A : i32
    %convert_element_type3A = arith.extui %eq3A_28 : i1 to i32
    %cond3A = arith.constant 0 : i32
    %cond3A_29 = arith.cmpi ne, %convert_element_type3A, %cond3A : i32
    scf.if %cond3A_29 {
      "tpu.region"() ({
        %run_scoped3A = tpu.sem_alloc : memref<!tpu.dma_semaphore, #tpu.memory_space<semaphore_mem>>
        tpu.enqueue_dma source(%arg3 : memref<10000xf32, #tpu.memory_space<hbm>>) target(%arg10 : memref<10000xf32, #tpu.memory_space<vmem_shared>>) target_semaphore(%run_scoped3A : memref<!tpu.dma_semaphore, #tpu.memory_space<semaphore_mem>>)
        tpu.wait_dma2 semaphore(%run_scoped3A : memref<!tpu.dma_semaphore, #tpu.memory_space<semaphore_mem>>) src(%arg3 : memref<10000xf32, #tpu.memory_space<hbm>>) dst(%arg10 : memref<10000xf32, #tpu.memory_space<vmem_shared>>)
        tpu.yield
      }) : () -> ()
    } else {
    }
    %mul3A = arith.constant 2000 : i32
    %mul3A_30 = arith.muli %arg0, %mul3A : i32
    %mul3A_31 = arith.constant 125 : i32
    %mul3A_32 = arith.muli %arg1, %mul3A_31 : i32
    %add3A = arith.addi %mul3A_30, %mul3A_32 : i32
    %min3A = arith.constant 0 : i32
    %min3A_33 = arith.minsi %arg1, %min3A : i32
    %add3A_34 = arith.addi %add3A, %min3A_33 : i32
    %lt3A = arith.constant 0 : i32
    %lt3A_35 = arith.cmpi slt, %arg1, %lt3A : i32
    %jit3A = arith.constant 1 : i32
    %jit3A_36 = arith.constant 0 : i32
    %select_n3A = arith.select %lt3A_35, %jit3A, %jit3A_36 : i32
    %add3A_37 = arith.constant 125 : i32
    %add3A_38 = arith.addi %add3A_37, %select_n3A : i32
    %add3A_39 = arith.constant 4000 : i32
    %add3A_40 = arith.addi %add3A_34, %add3A_39 : i32
    %mul3A_41 = arith.constant 80 : i32
    %mul3A_42 = arith.muli %add3A_40, %mul3A_41 : i32
    "tpu.region"() ({
      %run_scoped3A = tpu.sem_alloc : memref<!tpu.dma_semaphore, #tpu.memory_space<semaphore_mem>>
      %dma_start3A = arith.constant 0 : i32
      %dma_start3A_61 = tpu.memref_slice %arg6[%dma_start3A] : memref<10080xi32, #tpu.memory_space<vmem>> -> memref<10000xi32, #tpu.memory_space<vmem>>
      %dma_start3A_62 = tpu.memref_slice %arg2[%mul3A_42] : memref<640000xi32, #tpu.memory_space<hbm>> -> memref<10000xi32, #tpu.memory_space<hbm>>
      %dma_start3A_63 = arith.constant 0 : i32
      %dma_start3A_64 = tpu.memref_slice %arg6[%dma_start3A_63] : memref<10080xi32, #tpu.memory_space<vmem>> -> memref<10000xi32, #tpu.memory_space<vmem>>
      %dma_start3A_65 = tpu.memref_slice %arg2[%mul3A_42] : memref<640000xi32, #tpu.memory_space<hbm>> -> memref<10000xi32, #tpu.memory_space<hbm>>
      tpu.enqueue_dma source(%dma_start3A_65 : memref<10000xi32, #tpu.memory_space<hbm>>) target(%dma_start3A_64 : memref<10000xi32, #tpu.memory_space<vmem>>) target_semaphore(%run_scoped3A : memref<!tpu.dma_semaphore, #tpu.memory_space<semaphore_mem>>)
      %dma_wait3A_66 = arith.constant 0 : i32
      %dma_wait3A_67 = tpu.memref_slice %arg6[%dma_wait3A_66] : memref<10080xi32, #tpu.memory_space<vmem>> -> memref<10000xi32, #tpu.memory_space<vmem>>
      %dma_wait3A_68 = tpu.memref_slice %arg2[%mul3A_42] : memref<640000xi32, #tpu.memory_space<hbm>> -> memref<10000xi32, #tpu.memory_space<hbm>>
      %dma_wait3A_69 = arith.constant 0 : i32
      %dma_wait3A_70 = tpu.memref_slice %arg6[%dma_wait3A_69] : memref<10080xi32, #tpu.memory_space<vmem>> -> memref<10000xi32, #tpu.memory_space<vmem>>
      %dma_wait3A_71 = tpu.memref_slice %arg2[%mul3A_42] : memref<640000xi32, #tpu.memory_space<hbm>> -> memref<10000xi32, #tpu.memory_space<hbm>>
      tpu.wait_dma2 semaphore(%run_scoped3A : memref<!tpu.dma_semaphore, #tpu.memory_space<semaphore_mem>>) src(%dma_wait3A_71 : memref<10000xi32, #tpu.memory_space<hbm>>) dst(%dma_wait3A_70 : memref<10000xi32, #tpu.memory_space<vmem>>)
      tpu.yield
    }) : () -> ()
    %gt3A = arith.constant 125 : i32
    %gt3A_43 = arith.cmpi sgt, %add3A_38, %gt3A : i32
    %convert_element_type3A_44 = arith.extui %gt3A_43 : i1 to i32
    %cond3A_45 = arith.constant 0 : i32
    %cond3A_46 = arith.cmpi ne, %convert_element_type3A_44, %cond3A_45 : i32
    scf.if %cond3A_46 {
      %add3A_61 = arith.constant 125 : i32
      %add3A_62 = arith.addi %add3A_40, %add3A_61 : i32
      %mul3A_63 = arith.constant 80 : i32
      %mul3A_64 = arith.muli %add3A_62, %mul3A_63 : i32
      "tpu.region"() ({
        %run_scoped3A = tpu.sem_alloc : memref<!tpu.dma_semaphore, #tpu.memory_space<semaphore_mem>>
        %dma_start3A = arith.constant 10000 : i32
        %dma_start3A_65 = tpu.memref_slice %arg6[%dma_start3A] : memref<10080xi32, #tpu.memory_space<vmem>> -> memref<80xi32, #tpu.memory_space<vmem>>
        %dma_start3A_66 = tpu.memref_slice %arg2[%mul3A_64] : memref<640000xi32, #tpu.memory_space<hbm>> -> memref<80xi32, #tpu.memory_space<hbm>>
        %dma_start3A_67 = arith.constant 10000 : i32
        %dma_start3A_68 = tpu.memref_slice %arg6[%dma_start3A_67] : memref<10080xi32, #tpu.memory_space<vmem>> -> memref<80xi32, #tpu.memory_space<vmem>>
        %dma_start3A_69 = tpu.memref_slice %arg2[%mul3A_64] : memref<640000xi32, #tpu.memory_space<hbm>> -> memref<80xi32, #tpu.memory_space<hbm>>
        tpu.enqueue_dma source(%dma_start3A_69 : memref<80xi32, #tpu.memory_space<hbm>>) target(%dma_start3A_68 : memref<80xi32, #tpu.memory_space<vmem>>) target_semaphore(%run_scoped3A : memref<!tpu.dma_semaphore, #tpu.memory_space<semaphore_mem>>)
        %dma_wait3A_70 = arith.constant 10000 : i32
        %dma_wait3A_71 = tpu.memref_slice %arg6[%dma_wait3A_70] : memref<10080xi32, #tpu.memory_space<vmem>> -> memref<80xi32, #tpu.memory_space<vmem>>
        %dma_wait3A_72 = tpu.memref_slice %arg2[%mul3A_64] : memref<640000xi32, #tpu.memory_space<hbm>> -> memref<80xi32, #tpu.memory_space<hbm>>
        %dma_wait3A_73 = arith.constant 10000 : i32
        %dma_wait3A_74 = tpu.memref_slice %arg6[%dma_wait3A_73] : memref<10080xi32, #tpu.memory_space<vmem>> -> memref<80xi32, #tpu.memory_space<vmem>>
        %dma_wait3A_75 = tpu.memref_slice %arg2[%mul3A_64] : memref<640000xi32, #tpu.memory_space<hbm>> -> memref<80xi32, #tpu.memory_space<hbm>>
        tpu.wait_dma2 semaphore(%run_scoped3A : memref<!tpu.dma_semaphore, #tpu.memory_space<semaphore_mem>>) src(%dma_wait3A_75 : memref<80xi32, #tpu.memory_space<hbm>>) dst(%dma_wait3A_74 : memref<80xi32, #tpu.memory_space<vmem>>)
        tpu.yield
      }) : () -> ()
    } else {
    }
    %barrier3A = arith.constant 0 : index
    tpu.barrier barrier_id(%barrier3A)
    %scan3A = arith.constant 0 : i32
    %scan3A_47 = arith.constant 0 : i32
    %scan3A_48 = arith.constant 63 : i32
    %scan3A_49 = arith.addi %scan3A_47, %scan3A_48 : i32
    %scan3A_50 = arith.constant 1 : i32
    scf.for %scan3A_61 = %scan3A_47 to %scan3A_49 step %scan3A_50  : i32 {
      %mul3A_62 = arith.constant 2 : i32
      %mul3A_63 = arith.muli %scan3A_61, %mul3A_62 : i32
      %add3A_64 = arith.constant 0 : i32
      %add3A_65 = arith.addi %mul3A_63, %add3A_64 : i32
      %lt3A_66 = arith.cmpi slt, %add3A_65, %add3A_38 : i32
      %convert_element_type3A_67 = arith.extui %lt3A_66 : i1 to i32
      %cond3A_68 = arith.constant 0 : i32
      %cond3A_69 = arith.cmpi ne, %convert_element_type3A_67, %cond3A_68 : i32
      scf.if %cond3A_69 {
        %ge3A = arith.constant 2 : i32
        %ge3A_78 = arith.cmpi sge, %add3A_65, %ge3A : i32
        %convert_element_type3A_79 = arith.extui %ge3A_78 : i1 to i32
        %cond3A_80 = arith.constant 0 : i32
        %cond3A_81 = arith.cmpi ne, %convert_element_type3A_79, %cond3A_80 : i32
        scf.if %cond3A_81 {
          %dma_wait3A_137 = arith.constant 0 : i32
          %dma_wait3A_138 = tpu.memref_slice %arg10[%dma_wait3A_137] : memref<10000xf32, #tpu.memory_space<vmem_shared>> -> memref<10000xf32, #tpu.memory_space<vmem_shared>>
          tpu.wait_indirect_dma semaphore(%arg11 : memref<!tpu.dma_semaphore, #tpu.memory_space<semaphore_mem>>) src(%arg9 : memref<80xf32, #tpu.memory_space<vmem>>) dst(%dma_wait3A_138 : memref<10000xf32, #tpu.memory_space<vmem_shared>>)
        } else {
        }
        %mul3A_82 = arith.constant 80 : i32
        %mul3A_83 = arith.muli %add3A_65, %mul3A_82 : i32
        %add3A_84 = arith.constant 0 : i32
        %add3A_85 = arith.addi %mul3A_83, %add3A_84 : i32
        %get3A = arith.index_cast %add3A_85 : i32 to index
        %get3A_86 = tpu.vector_load %arg6[%get3A] {strides = array<i32>} : memref<10080xi32, #tpu.memory_space<vmem>>, vector<16xi32>,
        %get3A_87 = vector.shape_cast %get3A_86 : vector<16xi32> to vector<16xi32>
        %swap3A_88 = arith.constant 0 : index
        %swap3A_89 = tpu.vector_load %arg7[%swap3A_88] {strides = array<i32>} : memref<80xi32, #tpu.memory_space<vmem>>, vector<16xi32>,
        %swap3A_90 = vector.shape_cast %swap3A_89 : vector<16xi32> to vector<16xi32>
        %swap3A_91 = vector.shape_cast %get3A_87 : vector<16xi32> to vector<16xi32>
        tpu.vector_store %arg7[%swap3A_88], %swap3A_91 {strides = array<i32>} : memref<80xi32, #tpu.memory_space<vmem>>, vector<16xi32>,
        %mul3A_92 = arith.constant 80 : i32
        %mul3A_93 = arith.muli %add3A_65, %mul3A_92 : i32
        %add3A_94 = arith.constant 16 : i32
        %add3A_95 = arith.addi %mul3A_93, %add3A_94 : i32
        %get3A_96 = arith.index_cast %add3A_95 : i32 to index
        %get3A_97 = tpu.vector_load %arg6[%get3A_96] {strides = array<i32>} : memref<10080xi32, #tpu.memory_space<vmem>>, vector<16xi32>,
        %get3A_98 = vector.shape_cast %get3A_97 : vector<16xi32> to vector<16xi32>
        %swap3A_99 = arith.constant 16 : index
        %swap3A_100 = tpu.vector_load %arg7[%swap3A_99] {strides = array<i32>} : memref<80xi32, #tpu.memory_space<vmem>>, vector<16xi32>,
        %swap3A_101 = vector.shape_cast %swap3A_100 : vector<16xi32> to vector<16xi32>
        %swap3A_102 = vector.shape_cast %get3A_98 : vector<16xi32> to vector<16xi32>
        tpu.vector_store %arg7[%swap3A_99], %swap3A_102 {strides = array<i32>} : memref<80xi32, #tpu.memory_space<vmem>>, vector<16xi32>,
        %mul3A_103 = arith.constant 80 : i32
        %mul3A_104 = arith.muli %add3A_65, %mul3A_103 : i32
        %add3A_105 = arith.constant 32 : i32
        %add3A_106 = arith.addi %mul3A_104, %add3A_105 : i32
        %get3A_107 = arith.index_cast %add3A_106 : i32 to index
        %get3A_108 = tpu.vector_load %arg6[%get3A_107] {strides = array<i32>} : memref<10080xi32, #tpu.memory_space<vmem>>, vector<16xi32>,
        %get3A_109 = vector.shape_cast %get3A_108 : vector<16xi32> to vector<16xi32>
        %swap3A_110 = arith.constant 32 : index
        %swap3A_111 = tpu.vector_load %arg7[%swap3A_110] {strides = array<i32>} : memref<80xi32, #tpu.memory_space<vmem>>, vector<16xi32>,
        %swap3A_112 = vector.shape_cast %swap3A_111 : vector<16xi32> to vector<16xi32>
        %swap3A_113 = vector.shape_cast %get3A_109 : vector<16xi32> to vector<16xi32>
        tpu.vector_store %arg7[%swap3A_110], %swap3A_113 {strides = array<i32>} : memref<80xi32, #tpu.memory_space<vmem>>, vector<16xi32>,
        %mul3A_114 = arith.constant 80 : i32
        %mul3A_115 = arith.muli %add3A_65, %mul3A_114 : i32
        %add3A_116 = arith.constant 48 : i32
        %add3A_117 = arith.addi %mul3A_115, %add3A_116 : i32
        %get3A_118 = arith.index_cast %add3A_117 : i32 to index
        %get3A_119 = tpu.vector_load %arg6[%get3A_118] {strides = array<i32>} : memref<10080xi32, #tpu.memory_space<vmem>>, vector<16xi32>,
        %get3A_120 = vector.shape_cast %get3A_119 : vector<16xi32> to vector<16xi32>
        %swap3A_121 = arith.constant 48 : index
        %swap3A_122 = tpu.vector_load %arg7[%swap3A_121] {strides = array<i32>} : memref<80xi32, #tpu.memory_space<vmem>>, vector<16xi32>,
        %swap3A_123 = vector.shape_cast %swap3A_122 : vector<16xi32> to vector<16xi32>
        %swap3A_124 = vector.shape_cast %get3A_120 : vector<16xi32> to vector<16xi32>
        tpu.vector_store %arg7[%swap3A_121], %swap3A_124 {strides = array<i32>} : memref<80xi32, #tpu.memory_space<vmem>>, vector<16xi32>,
        %mul3A_125 = arith.constant 80 : i32
        %mul3A_126 = arith.muli %add3A_65, %mul3A_125 : i32
        %add3A_127 = arith.constant 64 : i32
        %add3A_128 = arith.addi %mul3A_126, %add3A_127 : i32
        %get3A_129 = arith.index_cast %add3A_128 : i32 to index
        %get3A_130 = tpu.vector_load %arg6[%get3A_129] {strides = array<i32>} : memref<10080xi32, #tpu.memory_space<vmem>>, vector<16xi32>,
        %get3A_131 = vector.shape_cast %get3A_130 : vector<16xi32> to vector<16xi32>
        %swap3A_132 = arith.constant 64 : index
        %swap3A_133 = tpu.vector_load %arg7[%swap3A_132] {strides = array<i32>} : memref<80xi32, #tpu.memory_space<vmem>>, vector<16xi32>,
        %swap3A_134 = vector.shape_cast %swap3A_133 : vector<16xi32> to vector<16xi32>
        %swap3A_135 = vector.shape_cast %get3A_131 : vector<16xi32> to vector<16xi32>
        tpu.vector_store %arg7[%swap3A_132], %swap3A_135 {strides = array<i32>} : memref<80xi32, #tpu.memory_space<vmem>>, vector<16xi32>,
        %dma_start3A = arith.constant 0 : i32
        %dma_start3A_136 = tpu.memref_slice %arg10[%dma_start3A] : memref<10000xf32, #tpu.memory_space<vmem_shared>> -> memref<10000xf32, #tpu.memory_space<vmem_shared>>
        tpu.enqueue_indirect_dma source(%arg9 : memref<80xf32, #tpu.memory_space<vmem>>) target(%dma_start3A_136 : memref<10000xf32, #tpu.memory_space<vmem_shared>>) offsets(%arg7 : memref<80xi32, #tpu.memory_space<vmem>>) semaphore(%arg11 : memref<!tpu.dma_semaphore, #tpu.memory_space<semaphore_mem>>) {add = true}
      } else {
      }
      %mul3A_70 = arith.constant 2 : i32
      %mul3A_71 = arith.muli %scan3A_61, %mul3A_70 : i32
      %add3A_72 = arith.constant 1 : i32
      %add3A_73 = arith.addi %mul3A_71, %add3A_72 : i32
      %lt3A_74 = arith.cmpi slt, %add3A_73, %add3A_38 : i32
      %convert_element_type3A_75 = arith.extui %lt3A_74 : i1 to i32
      %cond3A_76 = arith.constant 0 : i32
      %cond3A_77 = arith.cmpi ne, %convert_element_type3A_75, %cond3A_76 : i32
      scf.if %cond3A_77 {
        %ge3A = arith.constant 2 : i32
        %ge3A_78 = arith.cmpi sge, %add3A_73, %ge3A : i32
        %convert_element_type3A_79 = arith.extui %ge3A_78 : i1 to i32
        %cond3A_80 = arith.constant 0 : i32
        %cond3A_81 = arith.cmpi ne, %convert_element_type3A_79, %cond3A_80 : i32
        scf.if %cond3A_81 {
          %dma_wait3A_137 = arith.constant 0 : i32
          %dma_wait3A_138 = tpu.memref_slice %arg10[%dma_wait3A_137] : memref<10000xf32, #tpu.memory_space<vmem_shared>> -> memref<10000xf32, #tpu.memory_space<vmem_shared>>
          tpu.wait_indirect_dma semaphore(%arg12 : memref<!tpu.dma_semaphore, #tpu.memory_space<semaphore_mem>>) src(%arg9 : memref<80xf32, #tpu.memory_space<vmem>>) dst(%dma_wait3A_138 : memref<10000xf32, #tpu.memory_space<vmem_shared>>)
        } else {
        }
        %mul3A_82 = arith.constant 80 : i32
        %mul3A_83 = arith.muli %add3A_73, %mul3A_82 : i32
        %add3A_84 = arith.constant 0 : i32
        %add3A_85 = arith.addi %mul3A_83, %add3A_84 : i32
        %get3A = arith.index_cast %add3A_85 : i32 to index
        %get3A_86 = tpu.vector_load %arg6[%get3A] {strides = array<i32>} : memref<10080xi32, #tpu.memory_space<vmem>>, vector<16xi32>,
        %get3A_87 = vector.shape_cast %get3A_86 : vector<16xi32> to vector<16xi32>
        %swap3A_88 = arith.constant 0 : index
        %swap3A_89 = tpu.vector_load %arg8[%swap3A_88] {strides = array<i32>} : memref<80xi32, #tpu.memory_space<vmem>>, vector<16xi32>,
        %swap3A_90 = vector.shape_cast %swap3A_89 : vector<16xi32> to vector<16xi32>
        %swap3A_91 = vector.shape_cast %get3A_87 : vector<16xi32> to vector<16xi32>
        tpu.vector_store %arg8[%swap3A_88], %swap3A_91 {strides = array<i32>} : memref<80xi32, #tpu.memory_space<vmem>>, vector<16xi32>,
        %mul3A_92 = arith.constant 80 : i32
        %mul3A_93 = arith.muli %add3A_73, %mul3A_92 : i32
        %add3A_94 = arith.constant 16 : i32
        %add3A_95 = arith.addi %mul3A_93, %add3A_94 : i32
        %get3A_96 = arith.index_cast %add3A_95 : i32 to index
        %get3A_97 = tpu.vector_load %arg6[%get3A_96] {strides = array<i32>} : memref<10080xi32, #tpu.memory_space<vmem>>, vector<16xi32>,
        %get3A_98 = vector.shape_cast %get3A_97 : vector<16xi32> to vector<16xi32>
        %swap3A_99 = arith.constant 16 : index
        %swap3A_100 = tpu.vector_load %arg8[%swap3A_99] {strides = array<i32>} : memref<80xi32, #tpu.memory_space<vmem>>, vector<16xi32>,
        %swap3A_101 = vector.shape_cast %swap3A_100 : vector<16xi32> to vector<16xi32>
        %swap3A_102 = vector.shape_cast %get3A_98 : vector<16xi32> to vector<16xi32>
        tpu.vector_store %arg8[%swap3A_99], %swap3A_102 {strides = array<i32>} : memref<80xi32, #tpu.memory_space<vmem>>, vector<16xi32>,
        %mul3A_103 = arith.constant 80 : i32
        %mul3A_104 = arith.muli %add3A_73, %mul3A_103 : i32
        %add3A_105 = arith.constant 32 : i32
        %add3A_106 = arith.addi %mul3A_104, %add3A_105 : i32
        %get3A_107 = arith.index_cast %add3A_106 : i32 to index
        %get3A_108 = tpu.vector_load %arg6[%get3A_107] {strides = array<i32>} : memref<10080xi32, #tpu.memory_space<vmem>>, vector<16xi32>,
        %get3A_109 = vector.shape_cast %get3A_108 : vector<16xi32> to vector<16xi32>
        %swap3A_110 = arith.constant 32 : index
        %swap3A_111 = tpu.vector_load %arg8[%swap3A_110] {strides = array<i32>} : memref<80xi32, #tpu.memory_space<vmem>>, vector<16xi32>,
        %swap3A_112 = vector.shape_cast %swap3A_111 : vector<16xi32> to vector<16xi32>
        %swap3A_113 = vector.shape_cast %get3A_109 : vector<16xi32> to vector<16xi32>
        tpu.vector_store %arg8[%swap3A_110], %swap3A_113 {strides = array<i32>} : memref<80xi32, #tpu.memory_space<vmem>>, vector<16xi32>,
        %mul3A_114 = arith.constant 80 : i32
        %mul3A_115 = arith.muli %add3A_73, %mul3A_114 : i32
        %add3A_116 = arith.constant 48 : i32
        %add3A_117 = arith.addi %mul3A_115, %add3A_116 : i32
        %get3A_118 = arith.index_cast %add3A_117 : i32 to index
        %get3A_119 = tpu.vector_load %arg6[%get3A_118] {strides = array<i32>} : memref<10080xi32, #tpu.memory_space<vmem>>, vector<16xi32>,
        %get3A_120 = vector.shape_cast %get3A_119 : vector<16xi32> to vector<16xi32>
        %swap3A_121 = arith.constant 48 : index
        %swap3A_122 = tpu.vector_load %arg8[%swap3A_121] {strides = array<i32>} : memref<80xi32, #tpu.memory_space<vmem>>, vector<16xi32>,
        %swap3A_123 = vector.shape_cast %swap3A_122 : vector<16xi32> to vector<16xi32>
        %swap3A_124 = vector.shape_cast %get3A_120 : vector<16xi32> to vector<16xi32>
        tpu.vector_store %arg8[%swap3A_121], %swap3A_124 {strides = array<i32>} : memref<80xi32, #tpu.memory_space<vmem>>, vector<16xi32>,
        %mul3A_125 = arith.constant 80 : i32
        %mul3A_126 = arith.muli %add3A_73, %mul3A_125 : i32
        %add3A_127 = arith.constant 64 : i32
        %add3A_128 = arith.addi %mul3A_126, %add3A_127 : i32
        %get3A_129 = arith.index_cast %add3A_128 : i32 to index
        %get3A_130 = tpu.vector_load %arg6[%get3A_129] {strides = array<i32>} : memref<10080xi32, #tpu.memory_space<vmem>>, vector<16xi32>,
        %get3A_131 = vector.shape_cast %get3A_130 : vector<16xi32> to vector<16xi32>
        %swap3A_132 = arith.constant 64 : index
        %swap3A_133 = tpu.vector_load %arg8[%swap3A_132] {strides = array<i32>} : memref<80xi32, #tpu.memory_space<vmem>>, vector<16xi32>,
        %swap3A_134 = vector.shape_cast %swap3A_133 : vector<16xi32> to vector<16xi32>
        %swap3A_135 = vector.shape_cast %get3A_131 : vector<16xi32> to vector<16xi32>
        tpu.vector_store %arg8[%swap3A_132], %swap3A_135 {strides = array<i32>} : memref<80xi32, #tpu.memory_space<vmem>>, vector<16xi32>,
        %dma_start3A = arith.constant 0 : i32
        %dma_start3A_136 = tpu.memref_slice %arg10[%dma_start3A] : memref<10000xf32, #tpu.memory_space<vmem_shared>> -> memref<10000xf32, #tpu.memory_space<vmem_shared>>
        tpu.enqueue_indirect_dma source(%arg9 : memref<80xf32, #tpu.memory_space<vmem>>) target(%dma_start3A_136 : memref<10000xf32, #tpu.memory_space<vmem_shared>>) offsets(%arg8 : memref<80xi32, #tpu.memory_space<vmem>>) semaphore(%arg12 : memref<!tpu.dma_semaphore, #tpu.memory_space<semaphore_mem>>) {add = true}
      } else {
      }
    }
    %scan3A_51 = arith.constant 63 : i32
    %dma_wait3A = arith.constant 0 : i32
    %dma_wait3A_52 = tpu.memref_slice %arg10[%dma_wait3A] : memref<10000xf32, #tpu.memory_space<vmem_shared>> -> memref<10000xf32, #tpu.memory_space<vmem_shared>>
    tpu.wait_indirect_dma semaphore(%arg11 : memref<!tpu.dma_semaphore, #tpu.memory_space<semaphore_mem>>) src(%arg9 : memref<80xf32, #tpu.memory_space<vmem>>) dst(%dma_wait3A_52 : memref<10000xf32, #tpu.memory_space<vmem_shared>>)
    %dma_wait3A_53 = arith.constant 0 : i32
    %dma_wait3A_54 = tpu.memref_slice %arg10[%dma_wait3A_53] : memref<10000xf32, #tpu.memory_space<vmem_shared>> -> memref<10000xf32, #tpu.memory_space<vmem_shared>>
    tpu.wait_indirect_dma semaphore(%arg12 : memref<!tpu.dma_semaphore, #tpu.memory_space<semaphore_mem>>) src(%arg9 : memref<80xf32, #tpu.memory_space<vmem>>) dst(%dma_wait3A_54 : memref<10000xf32, #tpu.memory_space<vmem_shared>>)
    %barrier3A_55 = arith.constant 0 : index
    tpu.barrier barrier_id(%barrier3A_55)
    %eq3A_56 = arith.constant 0 : i32
    %eq3A_57 = arith.cmpi eq, %arg1, %eq3A_56 : i32
    %convert_element_type3A_58 = arith.extui %eq3A_57 : i1 to i32
    %cond3A_59 = arith.constant 0 : i32
    %cond3A_60 = arith.cmpi ne, %convert_element_type3A_58, %cond3A_59 : i32
    scf.if %cond3A_60 {
      %eq3A_61 = arith.constant 0 : i32
      %eq3A_62 = arith.cmpi eq, %arg0, %eq3A_61 : i32
      %convert_element_type3A_63 = arith.extui %eq3A_62 : i1 to i32
      %cond3A_64 = arith.constant 0 : i32
      %cond3A_65 = arith.cmpi ne, %convert_element_type3A_63, %cond3A_64 : i32
      scf.if %cond3A_65 {
        "tpu.region"() ({
          %run_scoped3A = tpu.sem_alloc : memref<!tpu.dma_semaphore, #tpu.memory_space<semaphore_mem>>
          tpu.enqueue_dma source(%arg10 : memref<10000xf32, #tpu.memory_space<vmem_shared>>) target(%arg4 : memref<10000xf32, #tpu.memory_space<hbm>>) target_semaphore(%run_scoped3A : memref<!tpu.dma_semaphore, #tpu.memory_space<semaphore_mem>>)
          tpu.wait_dma2 semaphore(%run_scoped3A : memref<!tpu.dma_semaphore, #tpu.memory_space<semaphore_mem>>) src(%arg10 : memref<10000xf32, #tpu.memory_space<vmem_shared>>) dst(%arg4 : memref<10000xf32, #tpu.memory_space<hbm>>)
          tpu.yield
        }) : () -> ()
      } else {
      }
      %eq3A_66 = arith.constant 1 : i32
      %eq3A_67 = arith.cmpi eq, %arg0, %eq3A_66 : i32
      %convert_element_type3A_68 = arith.extui %eq3A_67 : i1 to i32
      %cond3A_69 = arith.constant 0 : i32
      %cond3A_70 = arith.cmpi ne, %convert_element_type3A_68, %cond3A_69 : i32
      scf.if %cond3A_70 {
        "tpu.region"() ({
          %run_scoped3A = tpu.sem_alloc : memref<!tpu.dma_semaphore, #tpu.memory_space<semaphore_mem>>
          tpu.enqueue_dma source(%arg10 : memref<10000xf32, #tpu.memory_space<vmem_shared>>) target(%arg5 : memref<10000xf32, #tpu.memory_space<hbm>>) target_semaphore(%run_scoped3A : memref<!tpu.dma_semaphore, #tpu.memory_space<semaphore_mem>>)
          tpu.wait_dma2 semaphore(%run_scoped3A : memref<!tpu.dma_semaphore, #tpu.memory_space<semaphore_mem>>) src(%arg10 : memref<10000xf32, #tpu.memory_space<vmem_shared>>) dst(%arg5 : memref<10000xf32, #tpu.memory_space<hbm>>)
          tpu.yield
        }) : () -> ()
      } else {
      }
    } else {
    }
    return
  }
}

module attributes {stable_mosaic.version = 14 : i64} {
  func.func @body(%arg0: i32, %arg1: memref<1000x128xf32, #tpu.memory_space<vmem>>, %arg2: memref<128x128xf32, #tpu.memory_space<vmem>>, %arg3: memref<1000x128xf32, #tpu.memory_space<vmem>>) attributes {dimension_semantics = [#tpu.dimension_semantics<arbitrary>], iteration_bounds = array<i64: 10>, scalar_prefetch = 0 : i64, scratch_operands = 0 : i64, tpu.core_type = #tpu.core_type<tc>, window_params = [{transform_indices = @transform_0, window_bounds = array<i64: 1000, 128>}, {pipeline_mode = #tpu.pipeline_mode<synchronous>, transform_indices = @transform_1, window_bounds = array<i64: 128, 128>}, {transform_indices = @transform_2, window_bounds = array<i64: 1000, 128>}]} {
    %get3A = arith.constant 0 : index
    %get3A_0 = arith.constant 0 : index
    %get3A_1 = vector.load %arg1[%get3A, %get3A_0] : memref<1000x128xf32, #tpu.memory_space<vmem>>, vector<1000x128xf32>
    %get3A_2 = arith.constant 0 : index
    %get3A_3 = arith.constant 0 : index
    %get3A_4 = vector.load %arg2[%get3A_2, %get3A_3] : memref<128x128xf32, #tpu.memory_space<vmem>>, vector<128x128xf32>
    %dot_general3A = arith.constant dense<0.000000e+00> : vector<1000x128xf32>
    %dot_general3A_5 = tpu.matmul %get3A_1, %get3A_4, %dot_general3A {dimension_numbers = #tpu.dot_dimension_numbers<[1], [0], [0], [1], [0, 0, 1, 1], [], []>, transpose_lhs_hint = false} : vector<1000x128xf32>, vector<128x128xf32>, vector<1000x128xf32> -> vector<1000x128xf32>
    %swap3A = arith.constant 0 : index
    %swap3A_6 = arith.constant 0 : index
    %swap3A_7 = vector.load %arg3[%swap3A, %swap3A_6] : memref<1000x128xf32, #tpu.memory_space<vmem>>, vector<1000x128xf32>
    tpu.vector_store %arg3[%swap3A, %swap3A_6], %dot_general3A_5 {strides = array<i32>} : memref<1000x128xf32, #tpu.memory_space<vmem>>, vector<1000x128xf32>,
    return
  }
  func.func @transform_0(%arg0: i32) -> (i32, i32) {
    %c0_i32 = arith.constant 0 : i32
    %c0_i32_0 = arith.constant 0 : i32
    return %arg0, %c0_i32 : i32, i32
  }
  func.func @transform_1(%arg0: i32) -> (i32, i32) {
    %c0_i32 = arith.constant 0 : i32
    %c0_i32_0 = arith.constant 0 : i32
    %c0_i32_1 = arith.constant 0 : i32
    return %c0_i32, %c0_i32_0 : i32, i32
  }
  func.func @transform_2(%arg0: i32) -> (i32, i32) {
    %c0_i32 = arith.constant 0 : i32
    %c0_i32_0 = arith.constant 0 : i32
    return %arg0, %c0_i32 : i32, i32
  }
}

module attributes {stable_mosaic.version = 14 : i64} {
  func.func @body(%arg0: i32, %arg1: memref<1000x128xf32, #tpu.memory_space<vmem>>, %arg2: memref<1000x1xf32, #tpu.memory_space<vmem>>, %arg3: memref<1000x128xf32, #tpu.memory_space<vmem>>) attributes {dimension_semantics = [#tpu.dimension_semantics<arbitrary>], iteration_bounds = array<i64: 10>, scalar_prefetch = 0 : i64, scratch_operands = 0 : i64, tpu.core_type = #tpu.core_type<tc>, window_params = [{transform_indices = @transform_0, window_bounds = array<i64: 1000, 128>}, {transform_indices = @transform_1, window_bounds = array<i64: 1000, 1>}, {transform_indices = @transform_2, window_bounds = array<i64: 1000, 128>}]} {
    %get3A = arith.constant 0 : index
    %get3A_0 = arith.constant 0 : index
    %get3A_1 = vector.load %arg1[%get3A, %get3A_0] : memref<1000x128xf32, #tpu.memory_space<vmem>>, vector<1000x128xf32>
    %get3A_2 = arith.constant 0 : index
    %get3A_3 = arith.constant 0 : index
    %get3A_4 = vector.load %arg2[%get3A_2, %get3A_3] : memref<1000x1xf32, #tpu.memory_space<vmem>>, vector<1000x1xf32>
    %add3A = arith.constant 1.000000e+00 : f32
    %add3A_5 = vector.broadcast %add3A : f32 to vector<1000x1xf32>
    %add3A_6 = arith.addf %add3A_5, %get3A_4 : vector<1000x1xf32>
    %rsqrt3A = math.rsqrt %add3A_6 : vector<1000x1xf32>
    %mul3A = vector.broadcast %rsqrt3A : vector<1000x1xf32> to vector<1000x128xf32>
    %mul3A_7 = arith.mulf %get3A_1, %mul3A : vector<1000x128xf32>
    %swap3A = arith.constant 0 : index
    %swap3A_8 = arith.constant 0 : index
    %swap3A_9 = vector.load %arg3[%swap3A, %swap3A_8] : memref<1000x128xf32, #tpu.memory_space<vmem>>, vector<1000x128xf32>
    tpu.vector_store %arg3[%swap3A, %swap3A_8], %mul3A_7 {strides = array<i32>} : memref<1000x128xf32, #tpu.memory_space<vmem>>, vector<1000x128xf32>,
    return
  }
  func.func @transform_0(%arg0: i32) -> (i32, i32) {
    %c0_i32 = arith.constant 0 : i32
    %c0_i32_0 = arith.constant 0 : i32
    return %arg0, %c0_i32 : i32, i32
  }
  func.func @transform_1(%arg0: i32) -> (i32, i32) {
    %c0_i32 = arith.constant 0 : i32
    %c0_i32_0 = arith.constant 0 : i32
    return %arg0, %c0_i32 : i32, i32
  }
  func.func @transform_2(%arg0: i32) -> (i32, i32) {
    %c0_i32 = arith.constant 0 : i32
    %c0_i32_0 = arith.constant 0 : i32
    return %arg0, %c0_i32 : i32, i32
  }
}

module attributes {stable_mosaic.version = 14 : i64} {
  func.func @body(%arg0: i32, %arg1: memref<1000x128xf32, #tpu.memory_space<vmem>>, %arg2: memref<1000x128xf32, #tpu.memory_space<vmem>>, %arg3: memref<1000x128xf32, #tpu.memory_space<vmem>>, %arg4: memref<1000x1xf32, #tpu.memory_space<vmem>>, %arg5: memref<1x128xf32, #tpu.memory_space<vmem>>, %arg6: memref<1000x128xf32, #tpu.memory_space<vmem>>) attributes {dimension_semantics = [#tpu.dimension_semantics<arbitrary>], iteration_bounds = array<i64: 10>, scalar_prefetch = 0 : i64, scratch_operands = 0 : i64, tpu.core_type = #tpu.core_type<tc>, window_params = [{transform_indices = @transform_0, window_bounds = array<i64: 1000, 128>}, {transform_indices = @transform_1, window_bounds = array<i64: 1000, 128>}, {transform_indices = @transform_2, window_bounds = array<i64: 1000, 128>}, {transform_indices = @transform_3, window_bounds = array<i64: 1000, 1>}, {pipeline_mode = #tpu.pipeline_mode<synchronous>, transform_indices = @transform_4, window_bounds = array<i64: 1, 128>}, {transform_indices = @transform_5, window_bounds = array<i64: 1000, 128>}]} {
    %get3A = arith.constant 0 : index
    %get3A_0 = arith.constant 0 : index
    %get3A_1 = vector.load %arg4[%get3A, %get3A_0] : memref<1000x1xf32, #tpu.memory_space<vmem>>, vector<1000x1xf32>
    %add3A = arith.constant 1.000000e+00 : f32
    %add3A_2 = vector.broadcast %add3A : f32 to vector<1000x1xf32>
    %add3A_3 = arith.addf %add3A_2, %get3A_1 : vector<1000x1xf32>
    %rsqrt3A = math.rsqrt %add3A_3 : vector<1000x1xf32>
    %get3A_4 = arith.constant 0 : index
    %get3A_5 = arith.constant 0 : index
    %get3A_6 = vector.load %arg1[%get3A_4, %get3A_5] : memref<1000x128xf32, #tpu.memory_space<vmem>>, vector<1000x128xf32>
    %get3A_7 = arith.constant 0 : index
    %get3A_8 = arith.constant 0 : index
    %get3A_9 = vector.load %arg2[%get3A_7, %get3A_8] : memref<1000x128xf32, #tpu.memory_space<vmem>>, vector<1000x128xf32>
    %add3A_10 = arith.addf %get3A_6, %get3A_9 : vector<1000x128xf32>
    %get3A_11 = arith.constant 0 : index
    %get3A_12 = arith.constant 0 : index
    %get3A_13 = vector.load %arg3[%get3A_11, %get3A_12] : memref<1000x128xf32, #tpu.memory_space<vmem>>, vector<1000x128xf32>
    %sub3A = arith.subf %add3A_10, %get3A_13 : vector<1000x128xf32>
    %mul3A = vector.broadcast %rsqrt3A : vector<1000x1xf32> to vector<1000x128xf32>
    %mul3A_14 = arith.mulf %sub3A, %mul3A : vector<1000x128xf32>
    %get3A_15 = arith.constant 0 : index
    %get3A_16 = arith.constant 0 : index
    %get3A_17 = vector.load %arg5[%get3A_15, %get3A_16] : memref<1x128xf32, #tpu.memory_space<vmem>>, vector<1x128xf32>
    %add3A_18 = vector.broadcast %get3A_17 : vector<1x128xf32> to vector<1000x128xf32>
    %add3A_19 = arith.addf %mul3A_14, %add3A_18 : vector<1000x128xf32>
    %swap3A = arith.constant 0 : index
    %swap3A_20 = arith.constant 0 : index
    %swap3A_21 = vector.load %arg6[%swap3A, %swap3A_20] : memref<1000x128xf32, #tpu.memory_space<vmem>>, vector<1000x128xf32>
    tpu.vector_store %arg6[%swap3A, %swap3A_20], %add3A_19 {strides = array<i32>} : memref<1000x128xf32, #tpu.memory_space<vmem>>, vector<1000x128xf32>,
    return
  }
  func.func @transform_0(%arg0: i32) -> (i32, i32) {
    %c0_i32 = arith.constant 0 : i32
    %c0_i32_0 = arith.constant 0 : i32
    return %arg0, %c0_i32 : i32, i32
  }
  func.func @transform_1(%arg0: i32) -> (i32, i32) {
    %c0_i32 = arith.constant 0 : i32
    %c0_i32_0 = arith.constant 0 : i32
    return %arg0, %c0_i32 : i32, i32
  }
  func.func @transform_2(%arg0: i32) -> (i32, i32) {
    %c0_i32 = arith.constant 0 : i32
    %c0_i32_0 = arith.constant 0 : i32
    return %arg0, %c0_i32 : i32, i32
  }
  func.func @transform_3(%arg0: i32) -> (i32, i32) {
    %c0_i32 = arith.constant 0 : i32
    %c0_i32_0 = arith.constant 0 : i32
    return %arg0, %c0_i32 : i32, i32
  }
  func.func @transform_4(%arg0: i32) -> (i32, i32) {
    %c0_i32 = arith.constant 0 : i32
    %c0_i32_0 = arith.constant 0 : i32
    %c0_i32_1 = arith.constant 0 : i32
    return %c0_i32, %c0_i32_0 : i32, i32
  }
  func.func @transform_5(%arg0: i32) -> (i32, i32) {
    %c0_i32 = arith.constant 0 : i32
    %c0_i32_0 = arith.constant 0 : i32
    return %arg0, %c0_i32 : i32, i32
  }
}

</mosaic_0001>

<sc_bundles>
// kernel: kernel.10.cloned.1.call-start
scs
__scs_entry_jumppad:
0x0: {  	(pc) =	sbr.rel $0x88, $3  }
0x1: {  	(tag) =	ssettag $0x0;
	lr =	simm.s32 $0x1  }
0x2: {  	[smem:$0x3F9D] =	sst lr;
	_ =	strace $0xD0000000  }
0x3: {  	_ = 	snop  }
0x4: {  	_ = 	snop  }
0x5: {  	_ = 	snop  }
0x6: {  	_ = 	snop  }
0x7: {  	_ = 	snop  }
__scs_overlays_trampoline_lowered:
0x8: {  	[smem:$0x3FAC] =	sst s0  }
0x9: {  	[smem:$0x3FAD] =	sst s1  }
0xa: {  	[smem:$0x3FAE] =	sst s2  }
0xb: {  	[smem:$0x3FAF] =	sst s3  }
0xc: {  	[smem:$0x3FB0] =	sst s4  }
0xd: {  	[smem:$0x3FB1] =	sst s5  }
0xe: {  	[smem:$0x3FB2] =	sst s6  }
0xf: {  	[smem:$0x3FB3] =	sst s7  }
0x10: {  	[smem:$0x3FB4] =	sst s8  }
0x11: {  	[smem:$0x3FB5] =	sst s9;
	s0 =	simm.s32 @!p0 $0x0  }
0x12: {  	s1 =	sld [smem:$0x3F9B];
	s0 =	simm.s32 @p0 $0x1  }
0x13: {  	[smem:$0x3FB6] =	sst s0;
	s0 =	simm.s32 @!p1 $0x0  }
0x14: {  	s2 =	sld [smem:$0x3F9A];
	s0 =	simm.s32 @p1 $0x1  }
0x15: {  	[smem:$0x3FB7] =	sst s0;
	s0 =	simm.s32 @!p2 $0x0  }
0x16: {  	s3 =	sld [smem:$0x3FDB];
	s0 =	simm.s32 @p2 $0x1  }
0x17: {  	s4 =	simm.s32 $0x1BF5;
	[smem:$0x3FB9] =	sst s0  }
0x18: {  	s0 =	sld [smem:$0x3F9C];
	_ =	swait.ge [sflag:s4], $0x0  }
0x19: {  	s7 =	sld [smem:$0x3F9D]  }
0x1a: {  	s8 =	sadd.s32 $0xFFFFE003, lr  }
0x1b: {  	s9 =	sadd.s32 $0xFFFFFEF7, lr;
	s5 =	simm.s32 $0xFFFFFFFF;
	p2 =	slt.u32 s8, $0xFFFFF086  }
0x1c: {  	p1 =	slt.u32 s9, $0xF7A;
	s5 =	simm.s32 @!p2 $0x0  }
0x1d: {  	s5 =	simm.s32 @p1 $0x1;
	p0 =	seq.s32 s7, s2  }
0x1e: {  	s7 =	smul.u32 @!p0 $0xF7A, s2;
	p2 =	seq.s32 @!p0 s5, $0x0  }
0x1f: {  	s9 =	smul.u32 $0xF7A, s1;
	s8 =	simm.s32 @!p0 $0x1BF5;
	p2 =	por !p2, p0  }
0x20: {  	[sflag:s8] =	ssyncset.s32 @!p0 $0xFFFFF086;
	s6 =	sadd.s32 @!p0 s3, s7;
	s7 =	simm.s32 @!p0 $0x108  }
0x21: {  	s3 =	sadd.s32 s3, s9;
	s6 =	sadd.s32 @!p0 $0x88, s6;
	s7 =	simm.s32 @p2 $0x1082  }
0x22: {  	[simem:s7], [sflag:s8] =	dma.local @!p0 [hbm:s6], $0xF7A  }
0x23: {  	s9 =	sor.u32 $0xD0000000, s2;
	s6 =	simm.s32 $0x108;
	_ =	swait.ge @!p0 [sflag:s8], $0x0  }
0x24: {  	s3 =	sadd.s32 $0x88, s3;
	s6 =	simm.s32 @!p1 $0x1082;
	[sflag:s4] =	ssyncset.s32 $0xFFFFF086  }
0x25: {  	[simem:s6], [sflag:s4] =	dma.local [hbm:s3], $0xF7A  }
0x26: {  	[smem:$0x3F9D] =	sst s1;
	(tag) =	ssettag s2;
	_ =	strace s9  }
0x27: {  	s1 =	sld [smem:$0x3FAD]  }
0x28: {  	s2 =	sld [smem:$0x3FAE]  }
0x29: {  	s4 =	sld [smem:$0x3FB0]  }
0x2a: {  	p0 =	seq.s32 s5, $0x0;
	s5 =	sld [smem:$0x3FB1]  }
0x2b: {  	s6 =	sld [smem:$0x3FB2]  }
0x2c: {  	s7 =	sld [smem:$0x3FB3]  }
0x2d: {  	s3 =	simm.s32 $0x108;
	s8 =	sld [smem:$0x3FB4]  }
0x2e: {  	s3 =	simm.s32 @!p0 $0x1082;
	s9 =	sld [smem:$0x3FB5]  }
0x2f: {  	lr =	sadd.s32 s0, s3;
	s0 =	sld [smem:$0x3FAC]  }
0x30: {  	s3 =	sld [smem:$0x3FAF]  }
0x31: {  	[smem:$0x3FB8] =	sst s10  }
0x32: {  	s10 =	sld [smem:$0x3FB6];
	_ =	sdelay $0x3  }
0x33: {  	p0 =	seq.s32 s10, $0x1;
	s10 =	sld [smem:$0x3FB8];
	_ =	sdelay $0x3  }
0x34: {  	[smem:$0x3FB8] =	sst s10  }
0x35: {  	s10 =	sld [smem:$0x3FB7];
	_ =	sdelay $0x3  }
0x36: {  	p1 =	seq.s32 s10, $0x1;
	s10 =	sld [smem:$0x3FB8];
	_ =	sdelay $0x3  }
0x37: {  	[smem:$0x3FB8] =	sst s10  }
0x38: {  	s10 =	sld [smem:$0x3FB9]  }
0x39: {  	_ = 	snop;
	(pc) =	sbr.ind lr, $3  }
0x3a: {  	_ = 	snop  }
0x3b: {  	_ = 	snop  }
0x3c: {  	p2 =	seq.s32 s10, $0x1;
	s10 =	sld [smem:$0x3FB8]  }
0x3d: {  	_ =	shalt  }
0x3e: {  	_ =	shalt  }
0x3f: {  	_ =	shalt  }
0x40: {  	_ =	shalt  }
0x41: {  	_ =	shalt  }
0x42: {  	_ =	shalt  }
0x43: {  	_ =	shalt  }
0x44: {  	_ =	shalt  }
0x45: {  	_ =	shalt  }
0x46: {  	_ =	shalt  }
0x47: {  	_ =	shalt  }
0x48: {  	_ =	shalt  }
0x49: {  	_ =	shalt  }
0x4a: {  	_ =	shalt  }
0x4b: {  	_ =	shalt  }
0x4c: {  	_ =	shalt  }
0x4d: {  	_ =	shalt  }
0x4e: {  	_ =	shalt  }
0x4f: {  	_ =	shalt  }
0x50: {  	_ =	shalt  }
0x51: {  	_ =	shalt  }
0x52: {  	_ =	shalt  }
0x53: {  	_ =	shalt  }
0x54: {  	_ =	shalt  }
0x55: {  	_ =	shalt  }
0x56: {  	_ =	shalt  }
0x57: {  	_ =	shalt  }
0x58: {  	_ =	shalt  }
0x59: {  	_ =	shalt  }
0x5a: {  	_ =	shalt  }
0x5b: {  	_ =	shalt  }
0x5c: {  	_ =	shalt  }
0x5d: {  	_ =	shalt  }
0x5e: {  	_ =	shalt  }
0x5f: {  	_ =	shalt  }
0x60: {  	_ =	shalt  }
0x61: {  	_ =	shalt  }
0x62: {  	_ =	shalt  }
0x63: {  	_ =	shalt  }
0x64: {  	_ =	shalt  }
0x65: {  	_ =	shalt  }
0x66: {  	_ =	shalt  }
0x67: {  	_ =	shalt  }
0x68: {  	_ =	shalt  }
0x69: {  	_ =	shalt  }
0x6a: {  	_ =	shalt  }
0x6b: {  	_ =	shalt  }
0x6c: {  	_ =	shalt  }
0x6d: {  	_ =	shalt  }
0x6e: {  	_ =	shalt  }
0x6f: {  	_ =	shalt  }
0x70: {  	_ =	shalt  }
0x71: {  	_ =	shalt  }
0x72: {  	_ =	shalt  }
0x73: {  	_ =	shalt  }
0x74: {  	_ =	shalt  }
0x75: {  	_ =	shalt  }
0x76: {  	_ =	shalt  }
0x77: {  	_ =	shalt  }
0x78: {  	_ =	shalt  }
0x79: {  	_ =	shalt  }
0x7a: {  	_ =	shalt  }
0x7b: {  	_ =	shalt  }
0x7c: {  	_ =	shalt  }
0x7d: {  	_ =	shalt  }
0x7e: {  	_ =	shalt  }
0x7f: {  	_ =	shalt  }
0x80: {  	_ =	shalt  }
0x81: {  	_ =	shalt  }
0x82: {  	_ =	shalt  }
0x83: {  	_ =	shalt  }
0x84: {  	_ =	shalt  }
0x85: {  	_ =	shalt  }
0x86: {  	_ =	shalt  }
0x87: {  	_ =	shalt  }
.Lfunc_end0:
.L_simem_size_0:
called_computation.1_lowered:
.L_overlay_start_0:
0x88: {  	s2 =	sld [smem:$0x3FD9]  }
0x89: {  	s3 =	sld [smem:$0x3FFE];
	_ =	sdelay $0x1  }
0x8a: {  	s1 =	srdreg.scid  }
0x8b: {  	s0 =	sand.u32 $0x1, s1  }
0x8c: {  	s17 =	sshll.u32 s0, $0xA;
	s2 =	sadd.s32 s3, s2  }
0x8d: {  	s2 =	sadd.s32 s2, s17  }
0x8e: {  	[smem:$0x3FC4] =	sst s2  }
0x8f: {  	_ = 	snop  }
0x90: {  	s2 =	sld [smem:$0x3FD0];
	(tm) =	ssettm $0x1  }
0x91: {  	s18 =	sld [smem:$0x3FFB];
	_ =	sdelay $0x3  }
0x92: {  	_ =	strace s18  }
0x93: {  	s3 =	sld [smem:$0x3FFC];
	_ =	sdelay $0x3  }
0x94: {  	_ =	strace s3  }
0x95: {  	s3 =	sld [smem:$0x3FFD];
	_ =	sdelay $0x3  }
0x96: {  	_ =	strace s3  }
0x97: {  	_ =	strace $0x8FFFFFFF  }
0x98: {  	s19 =	sld [smem:$0x3FDB];
	_ =	sdelay $0x1  }
0x99: {  	s4 =	simm.s32 $_scs_section_size  }
0x9a: {  	s5 =	simm.s32 $_size__tile_overlayer_lowered;
	s6 =	simm.s32 $_tile_overlayer_lowered  }
0x9b: {  	s22 =	simm.s32 $0x1BFF;
	s21 =	sshll.u32 s6, $0x1;
	s3 =	sadd.s32 s4, s19  }
0x9c: {  	s7 =	simm.s32 $0x0;
	s20 =	sshll.u32 s5, $0x1;
	s5 =	sadd.s32 s21, s3  }
0x9d: {  	[timem:s7], [sflag:s22] =	dma.local [hbm:s5], s20  }
0x9e: {  	_ =	swait.ge [sflag:s22], s20  }
0x9f: {  	s4 =	ssub.s32 $0x0, s20;
	[sflag:s22] =	ssyncset.done $0x0  }
0xa0: {  	[sflag:s22] =	ssyncadd.s32 s4;
	_ =	sdelay $0x1  }
0xa1: {  	s23 =	simm.s32 $0x1B8B  }
0xa2: {  	_ =	swait.ge [sflag:s23], $0x1  }
0xa3: {  	[sflag:s23] =	ssyncset.done $0x0  }
0xa4: {  	s25 =	simm.s32 $0x1B8E;
	s24 =	sld [smem:$0x3FFE];
	[sflag:s23] =	ssyncadd.s32 $0xFFFFFFFF  }
0xa5: {  	s26 =	simm.s32 $execute0_lowered;
	[smem:$0x3FD2] =	sst s25  }
0xa6: {  	s5 =	sshll.u32 s26, $0x1;
	_ =	strace $0x80000049;
	[dreg:$0x1] =	wrdreg $0xFFFFFFFF  }
0xa7: {  	s28 =	simm.s32 $_size_execute0_lowered;
	s3 =	sadd.s32 s3, s5;
	[dreg:$0x0] =	wrdreg $0x0  }
0xa8: {  	s5 =	sshll.u32 s28, $0x1;
	[dreg:$0x2] =	wrdreg s3  }
0xa9: {  	[dreg:$0x3] =	wrdreg s5  }
0xaa: {  	[dreg:$0x4] =	wrdreg $0xC0  }
0xab: {  	_ =	task [dreg:s7], $0x5FFFF  }
0xac: {  	[dreg:$0x1] =	wrdreg $0xFFFFFFFF  }
0xad: {  	[dreg:$0x0] =	wrdreg $0x60  }
0xae: {  	[dreg:$0x2] =	wrdreg s24  }
0xaf: {  	[dreg:$0x3] =	wrdreg s2  }
0xb0: {  	[dreg:$0x4] =	wrdreg $0xA1000  }
0xb1: {  	[dreg:$0x5] =	wrdreg $0x9  }
0xb2: {  	_ =	task.clear_ibuf [dreg:s7], $0x6FFFF;
	_ =	strace $0x90000049  }
0xb3: {  	s29 =	simm.s32 $0x9;
	_ =	strace $0x8000004B  }
0xb4: {  	_ =	swait.ge [sflag:s29], $0x1  }
0xb5: {  	[sflag:s29] =	ssyncadd.s32 $0xFFFFFFFF  }
0xb6: {  	_ =	strace $0x9000004B  }
0xb7: {  	_ =	sfence  }
0xb8: {  	s30 =	sld [smem:$0x0];
	_ =	sdelay $0x2  }
0xb9: {  	s31 =	sshll.u32 s1, $0xD;
	s1 =	sshrl.u32 s1, $0x2  }
0xba: {  	s3 =	sand.u32 $0x4000, s31;
	s1 =	sadd.s32 s1, s30  }
0xbb: {  	s0 =	sor.u32 s3, s0;
	s1 =	sshll.u32 s1, $0x11  }
0xbc: {  	s0 =	sor.u32 s1, s0  }
0xbd: {  	s0 =	sadd.s32 $0x8F2B, s0  }
0xbe: {  	[sflag:s0] =	ssyncadd.remote.s32 $0x1  }
0xbf: {  	_ =	sfence.sel $0xFFFF  }
0xc0: {  	[dreg:$0x0] =	wrdreg $0xFFFFFFFF;
	(pc) =	sbr.abs _section_cstart, $3  }
0xc1: {  	[dreg:$0x1] =	wrdreg $0xFFFFFFFF  }
0xc2: {  	_ =	task.clear_ibuf [dreg:s7], $0x2FFFF;
	_ =	strace $0x9FFFFFFF  }
0xc3: {  	(tm) =	ssettm $0x7FFFFFFF  }
tec
execute0_lowered:
.L_overlay_start_1:
0x0: {  	(tag) =	ssettag $0x1  }
0x1: {  	s1 =	rddreg [dreg:$0x0];
	s2 =	srdreg.scid  }
0x2: {  	s0 =	rddreg [dreg:$0x1];
	s12 =	stileid.u32  }
0x3: {  	s3 =	rddreg [dreg:$0x2];
	s4 =	simm.s32 $0x0;
	s31 =	simm.s32 $0x2  }
0x4: {  	s28 =	simm.s32 $0x7;
	s29 =	simm.s32 $0x4;
	s6 =	smul.u32 $0x7D, s12  }
0x5: {  	s30 =	simm.s32 $0x8;
	s13 =	simm.s32 $0x8900;
	s7 =	smul.u32 $0x2700, s12  }
0x6: {  	s2 =	sand.u32 $0x1, s2;
	[smem:$0x7FF] =	sst s4;
	s15 =	smul.u32 $0x4E000, s12  }
0x7: {  	s18 =	smul.u32 $0x2710, s12;
	s20 =	sadd.s32 $0x124800, s3;
	s21 =	sadd.s32 $0x3A700, s1  }
0x8: {  	p0 =	sne.s32 s12, $0x0;
	s5 =	smul.u32 $0x7D0, s2;
	_ =	strace $0x8000004A  }
0x9: {  	s9 =	ssub.s32 $0x2, s2;
	s16 =	smul.u32 $0x27100, s2;
	[dreg:$0x9] =	wrdreg s20  }
0xa: {  	p4 =	seq.s32 s2, $0x1;
	[dreg:$0xa] =	wrdreg s21;
	s21 =	simm.s32 $0x2780  }
0xb: {  	s7 =	sadd.s32 s7, s1;
	s10 =	sshrl.u32 s9, $0x1;
	s17 =	sshrl.u32 s15, $0x2  }
0xc: {  	p2 =	seq.s32 @p4 s12, $0xF;
	p5 =	seq.s32 @!p4 s12, $0xF;
	s15 =	simm.s32 $0x9900  }
0xd: {  	s5 =	sadd.s32 s6, s5;
	s6 =	sadd.s32 $0x2400, s1;
	s9 =	ssub.s32 s9, s10  }
0xe: {  	s2 =	sadd.s32 s17, s3;
	s19 =	sadd.s32 $0x15E00, s7;
	s22 =	sadd.s32 $0x3D000, s7  }
0xf: {  	s23 =	sadd.s32 s18, s16;
	s1 =	sadd.s32 $0x61900, s1;
	[dreg:$0x7] =	wrdreg s2  }
0x10: {  	p1 =	por !p2, !p4;
	p2 =	por p2, !p4;
	[dreg:$0x8] =	wrdreg s19  }
0x11: {  	p3 =	por !p5, p4;
	p4 =	por p5, p4;
	[dreg:$0xb] =	wrdreg s22  }
0x12: {  	s8 =	smul.u32 $0x50, s5;
	[dreg:$0xc] =	wrdreg s1;
	s24 =	sadd.s32 $0x4E340, s23  }
0x13: {  	s2 =	sadd.s32 $0x4E2F0, s23;
	s25 =	smax.u32 s9, $0x1;
	s22 =	simm.s32 $0x2800  }
0x14: {  	s23 =	simm.s32 $0x10;
	s9 =	simm.s32 $0x2880;
	[dreg:$0xd] =	wrdreg s25  }
0x15: {  	s1 =	sshrl.u32 s24, $0x3;
	s2 =	sshrl.u32 s2, $0x3;
	s24 =	simm.s32 $0x2900  }
0x16: {  	s25 =	simm.s32 $0x50;
	s8 =	sshrl.u32 s8, $0x3;
	s1 =	sadd.s32 s1, s6  }
0x17: {  	s26 =	sadd.s32 s2, s6;
	s2 =	simm.s32 $0x8100;
	[dreg:$0xe] =	wrdreg s1  }
0x18: {  	s14 =	sadd.s32 s6, s8;
	[dreg:$0xf] =	wrdreg s26;
	s1 =	simm.s32 @!p0 $0x0  }
.Ltmp0:
0x19: {  	s11 =	sadd.s32 $0x9C40, s14;
	[dreg:$0x4] =	wrdreg s14;
	(pc) =	sbr.rel .LBB2_1-.Ltmp0, $4  }
0x1a: {  	s26 =	simm.s32 $0x5100;
	s10 =	sadd.s32 $0x9C4A, s14;
	[dreg:$0x5] =	wrdreg s11  }
0x1b: {  	s1 =	simm.s32 @p0 $0x1;
	s14 =	simm.s32 $0x9100;
	[dreg:$0x6] =	wrdreg s10  }
0x1c: {  	[smem:$0x7FD] =	sst s1;
	s1 =	sshrl.u32 @!p0 s3, $0x3;
	s11 =	simm.s32 $0x7900  }
0x1d: {  	s10 =	simm.s32 $0x0;
	[dreg:$0x10] =	wrdreg s1;
	s1 =	simm.s32 $0x1  }
.LBB2_5:
0x1e: {  	s7 =	simm.s32 $0x5  }
0x1f: {  	_ =	swait.ge [sflag:s7], $0x2800  }
0x20: {  	[sflag:s7] =	ssyncset.done $0x0  }
0x21: {  	[sflag:s7] =	ssyncadd.s32 $0xFFFFD800  }
0x22: {  	[bflag:$0x0] =	sbarrier.arrive $0xFFFF  }
0x23: {  	s16 =	rddreg [dreg:$0x9]  }
0x24: {  	s8 =	simm.s32 @!p1 $0x1FCA;
	s10 =	rddreg [dreg:$0xc];
	s7 =	sshrl.u32 @!p1 s16, $0x3  }
0x25: {  	[hbm:s10], [sflag:s8] =	dma.local @!p1 [spmem:s7], $0x2800  }
0x26: {  	s7 =	simm.s32 @!p1 $0xA  }
0x27: {  	_ =	swait.ge @!p1 [sflag:s7], $0x2800  }
0x28: {  	s10 =	stileid.u32;
	s12 =	rddreg [dreg:$0x7]  }
0x29: {  	s8 =	sshll.u32 @!p2 s10, $0x6;
	[sflag:s7] =	ssyncset.done @!p1 $0x0;
	s17 =	rddreg [dreg:$0xb]  }
0x2a: {  	[sflag:s7] =	ssyncadd.s32 @!p1 $0xFFFFD800;
	s7 =	sor.u32 @!p2 $0x1C0A, s8;
	s8 =	sshrl.u32 @!p2 s12, $0x3  }
0x2b: {  	[hbm:s17], [sflag:s7] =	dma.local @!p2 [spmem:s8], $0x2700  }
0x2c: {  	s7 =	simm.s32 @!p2 $0xA  }
0x2d: {  	_ =	swait.ge @!p2 [sflag:s7], $0x2700  }
0x2e: {  	s8 =	simm.s32 @!p3 $0x1FCA;
	[sflag:s7] =	ssyncset.done @!p2 $0x0  }
0x2f: {  	[sflag:s7] =	ssyncadd.s32 @!p2 $0xFFFFD900;
	s7 =	sshrl.u32 @!p3 s16, $0x3;
	s16 =	rddreg [dreg:$0xa]  }
0x30: {  	[hbm:s16], [sflag:s8] =	dma.local @!p3 [spmem:s7], $0x2800  }
0x31: {  	s7 =	simm.s32 @!p3 $0xA  }
0x32: {  	_ =	swait.ge @!p3 [sflag:s7], $0x2800  }
0x33: {  	s8 =	sshll.u32 @!p4 s10, $0x6;
	[sflag:s7] =	ssyncset.done @!p3 $0x0;
	s10 =	rddreg [dreg:$0x8]  }
0x34: {  	[sflag:s7] =	ssyncadd.s32 @!p3 $0xFFFFD800;
	s7 =	sor.u32 @!p4 $0x1C0A, s8;
	s8 =	sshrl.u32 @!p4 s12, $0x3  }
0x35: {  	[hbm:s10], [sflag:s7] =	dma.local @!p4 [spmem:s8], $0x2700  }
0x36: {  	s7 =	simm.s32 @!p4 $0xA  }
0x37: {  	_ =	swait.ge @!p4 [sflag:s7], $0x2700  }
0x38: {  	s19 =	rddreg [dreg:$0x11]  }
0x39: {  	s20 =	rddreg [dreg:$0xd];
	s10 =	sadd.s32 $0x1, s19  }
0x3a: {  	p0 =	sne.s32 s10, s20  }
.Ltmp1:
0x3b: {  	_ = 	snop;
	(pc) =	sbr.rel @!p0 .LBB2_6-.Ltmp1, $3  }
0x3c: {  	_ =	sdelay $0x1  }
0x3d: {  	[sflag:s7] =	ssyncset.done @!p4 $0x0  }
0x3e: {  	[sflag:s7] =	ssyncadd.s32 @!p4 $0xFFFFD900  }
.LBB2_1:
0x3f: {  	s7 =	sld [smem:$0x7FD];
	_ =	sdelay $0x2  }
0x40: {  	[dreg:$0x11] =	wrdreg s10;
	p0 =	seq.s32 s7, $0x1  }
0x41: {  	s8 =	rddreg [dreg:$0x10];
	s7 =	simm.s32 @!p0 $0x1C0A  }
0x42: {  	[spmem:s8], [sflag:s7] =	dma.local @!p0 [hbm:s0], $0x27100  }
0x43: {  	s7 =	simm.s32 @!p0 $0xA  }
0x44: {  	_ =	swait.ge @!p0 [sflag:s7], $0x27100  }
0x45: {  	[sflag:s7] =	ssyncset.done @!p0 $0x0  }
0x46: {  	s19 =	simm.s32 $0xA;
	s18 =	rddreg [dreg:$0x4];
	[sflag:s7] =	ssyncadd.s32 @!p0 $0xFFFD8F00  }
0x47: {  	[tilespmem:s4], [sflag:$0xA] =	stream.linear.gather [hbm4b:s18+s4], $0x2710, $0x38;
	[tilespmem:$0x1D980] =	vst v63  }
0x48: {  	_ =	swait.ge [sflag:s19], $0x2710  }
0x49: {  	[sflag:s19] =	ssyncset.done $0x0  }
0x4a: {  	s20 =	rddreg [dreg:$0x5];
	[sflag:s19] =	ssyncadd.s32 $0xFFFFD8F0  }
0x4b: {  	[tilespmem:s21], [sflag:$0x7] =	stream.linear.gather [hbm4b:s20+s4], $0x50, $0x38;
	[tilespmem:$0x1D980] =	vst v63  }
0x4c: {  	s8 =	rddreg [dreg:$0x6]  }
0x4d: {  	[tilespmem:s22], [sflag:$0x8] =	stream.linear.gather [hbm4b:s8+s4], $0x50, $0x38;
	[tilespmem:$0x1D980] =	vst v63  }
0x4e: {  	[bflag:$0x0] =	sbarrier.arrive $0xFFFF  }
0x4f: {  	[tilespmem:s24], [sflag:$0x1] =	stream.indirect.gather [hbm4b:s0+s23], $0x80, s4, s23, $0xb8;
	[tilespmem:$0x1D980] =	vst v63  }
0x50: {  	s10 =	simm.s32 $0x3100  }
0x51: {  	[tilespmem:s10], [sflag:$0x1] =	stream.indirect.gather [hbm4b:s0+s23], $0x80, s23, s23, $0xb8;
	[tilespmem:$0x1D980] =	vst v63  }
0x52: {  	s12 =	simm.s32 $0x20;
	s16 =	simm.s32 $0x3900  }
0x53: {  	[tilespmem:s16], [sflag:$0x1] =	stream.indirect.gather [hbm4b:s0+s23], $0x80, s12, s23, $0xb8;
	[tilespmem:$0x1D980] =	vst v63  }
0x54: {  	s17 =	simm.s32 $0x30;
	s18 =	simm.s32 $0x4100  }
0x55: {  	[tilespmem:s18], [sflag:$0x1] =	stream.indirect.gather [hbm4b:s0+s23], $0x80, s17, s23, $0xb8;
	[tilespmem:$0x1D980] =	vst v63  }
0x56: {  	s19 =	simm.s32 $0x40;
	s20 =	simm.s32 $0x4900  }
0x57: {  	[tilespmem:s20], [sflag:$0x1] =	stream.indirect.gather [hbm4b:s0+s23], $0x80, s19, s23, $0xb8;
	[tilespmem:$0x1D980] =	vst v63  }
0x58: {  	_ = 	snop  }
0x59: {  	[tilespmem:s26], [sflag:$0x2] =	stream.indirect.gather [hbm4b:s0+s23], $0x80, s25, s23, $0xb8;
	[tilespmem:$0x1D980] =	vst v63  }
0x5a: {  	s8 =	simm.s32 $0x60;
	s10 =	simm.s32 $0x5900  }
0x5b: {  	[tilespmem:s10], [sflag:$0x2] =	stream.indirect.gather [hbm4b:s0+s23], $0x80, s8, s23, $0xb8;
	[tilespmem:$0x1D980] =	vst v63  }
0x5c: {  	s12 =	simm.s32 $0x70;
	s16 =	simm.s32 $0x6100  }
0x5d: {  	[tilespmem:s16], [sflag:$0x2] =	stream.indirect.gather [hbm4b:s0+s23], $0x80, s12, s23, $0xb8;
	[tilespmem:$0x1D980] =	vst v63  }
.Ltmp2:
0x5e: {  	s17 =	simm.s32 $0x80;
	s18 =	simm.s32 $0x6900;
	(pc) =	sbr.rel .LBB2_2-.Ltmp2, $4  }
0x5f: {  	[tilespmem:s18], [sflag:$0x2] =	stream.indirect.gather [hbm4b:s0+s23], $0x80, s17, s23, $0xb8;
	[tilespmem:$0x1D980] =	vst v63  }
0x60: {  	s19 =	simm.s32 $0x90;
	s20 =	simm.s32 $0x7100;
	s18 =	rddreg [dreg:$0xf]  }
0x61: {  	[tilespmem:s20], [sflag:$0x2] =	stream.indirect.gather [hbm4b:s0+s23], $0x80, s19, s23, $0xb8;
	[tilespmem:$0x1D980] =	vst v63  }
0x62: {  	s7 =	simm.s32 $0x0;
	s17 =	rddreg [dreg:$0xe];
	s19 =	simm.s32 $0x2  }
.LBB2_4:
0x63: {  	_ =	swait.ge [sflag:s1], $0x800  }
0x64: {  	[sflag:s1] =	ssyncset.done $0x0  }
0x65: {  	[sflag:s1] =	ssyncadd.s32 $0xFFFFF800  }
0x66: {  	_ =	swait.ge [sflag:s1], $0x800  }
0x67: {  	[sflag:s1] =	ssyncset.done $0x0  }
0x68: {  	[sflag:s1] =	ssyncadd.s32 $0xFFFFF800  }
0x69: {  	_ =	swait.ge [sflag:s1], $0x800  }
0x6a: {  	[sflag:s1] =	ssyncset.done $0x0  }
0x6b: {  	[sflag:s1] =	ssyncadd.s32 $0xFFFFF800  }
0x6c: {  	_ =	swait.ge [sflag:s1], $0x800  }
0x6d: {  	[sflag:s1] =	ssyncset.done $0x0  }
0x6e: {  	[sflag:s1] =	ssyncadd.s32 $0xFFFFF800  }
0x6f: {  	_ =	swait.ge [sflag:s1], $0x800  }
0x70: {  	[sflag:s1] =	ssyncset.done $0x0  }
0x71: {  	[sflag:s1] =	ssyncadd.s32 $0xFFFFF800  }
0x72: {  	_ =	swait.ge [sflag:s28], $0x50  }
0x73: {  	[sflag:s28] =	ssyncset.done $0x0  }
0x74: {  	[sflag:s28] =	ssyncadd.s32 $0xFFFFFFB0  }
0x75: {  	[spmem:s3] =	stream.indirect.scatter.add.f32 [tilespmem:s24], [sflag:$0x4], $0x80, s21, s25, $0xb8;
	[tilespmem:$0x1D980] =	vst v63  }
0x76: {  	_ =	swait.ge [sflag:s29], $0x2800  }
0x77: {  	[sflag:s29] =	ssyncset.done $0x0  }
0x78: {  	s8 =	simm.s32 @!p5 $0x0;
	s20 =	simm.s32 @!p5 $0x2780;
	[sflag:s29] =	ssyncadd.s32 $0xFFFFD800  }
0x79: {  	[tilespmem:s20], [sflag:$0x7] =	stream.linear.gather @!p5 [hbm4b:s18+s8], $0x50, $0x38;
	[tilespmem:$0x1D980] =	vst v63  }
0x7a: {  	s20 =	sshra.s32 @!p5 s7, $0x2  }
0x7b: {  	s12 =	simm.s32 @!p5 $0x10;
	s16 =	simm.s32 @!p5 $0x2900;
	s10 =	sadd.s32 @!p5 $0xF0, s20  }
0x7c: {  	[tilespmem:s16], [sflag:$0x1] =	stream.indirect.gather @!p5 [hbm4b:s0+s12], $0x80, s10, s12, $0xb8;
	[tilespmem:$0x1D980] =	vst v63  }
0x7d: {  	s10 =	sadd.s32 @!p5 $0x100, s20;
	s16 =	simm.s32 @!p5 $0x3100  }
0x7e: {  	[tilespmem:s16], [sflag:$0x1] =	stream.indirect.gather @!p5 [hbm4b:s0+s12], $0x80, s10, s12, $0xb8;
	[tilespmem:$0x1D980] =	vst v63  }
0x7f: {  	s10 =	sadd.s32 @!p5 $0x110, s20;
	s16 =	simm.s32 @!p5 $0x3900  }
0x80: {  	[tilespmem:s16], [sflag:$0x1] =	stream.indirect.gather @!p5 [hbm4b:s0+s12], $0x80, s10, s12, $0xb8;
	[tilespmem:$0x1D980] =	vst v63  }
0x81: {  	s10 =	sadd.s32 @!p5 $0x120, s20;
	s16 =	simm.s32 @!p5 $0x4100  }
0x82: {  	[tilespmem:s16], [sflag:$0x1] =	stream.indirect.gather @!p5 [hbm4b:s0+s12], $0x80, s10, s12, $0xb8;
	[tilespmem:$0x1D980] =	vst v63  }
0x83: {  	s10 =	sadd.s32 @!p5 $0x130, s20;
	s16 =	simm.s32 @!p5 $0x4900  }
0x84: {  	[tilespmem:s16], [sflag:$0x1] =	stream.indirect.gather @!p5 [hbm4b:s0+s12], $0x80, s10, s12, $0xb8;
	[tilespmem:$0x1D980] =	vst v63  }
0x85: {  	_ =	swait.ge [sflag:s31], $0x800  }
0x86: {  	[sflag:s31] =	ssyncset.done $0x0  }
0x87: {  	[sflag:s31] =	ssyncadd.s32 $0xFFFFF800  }
0x88: {  	_ =	swait.ge [sflag:s31], $0x800  }
0x89: {  	[sflag:s31] =	ssyncset.done $0x0  }
0x8a: {  	[sflag:s31] =	ssyncadd.s32 $0xFFFFF800  }
0x8b: {  	_ =	swait.ge [sflag:s31], $0x800  }
0x8c: {  	[sflag:s31] =	ssyncset.done $0x0  }
0x8d: {  	[sflag:s31] =	ssyncadd.s32 $0xFFFFF800  }
0x8e: {  	_ =	swait.ge [sflag:s31], $0x800  }
0x8f: {  	[sflag:s31] =	ssyncset.done $0x0  }
0x90: {  	[sflag:s31] =	ssyncadd.s32 $0xFFFFF800  }
0x91: {  	_ =	swait.ge [sflag:s31], $0x800  }
0x92: {  	[sflag:s31] =	ssyncset.done $0x0  }
0x93: {  	[sflag:s31] =	ssyncadd.s32 $0xFFFFF800  }
0x94: {  	_ =	swait.ge [sflag:s30], $0x50  }
0x95: {  	[sflag:s30] =	ssyncset.done $0x0  }
0x96: {  	s10 =	simm.s32 @!p5 $0x5;
	[sflag:s30] =	ssyncadd.s32 $0xFFFFFFB0  }
0x97: {  	[spmem:s3] =	stream.indirect.scatter.add.f32 [tilespmem:s26], [sflag:$0x5], $0x80, s22, s25, $0xb8;
	[tilespmem:$0x1D980] =	vst v63  }
0x98: {  	_ =	swait.ge @!p5 [sflag:s10], $0x2800  }
0x99: {  	[sflag:s10] =	ssyncset.done @!p5 $0x0  }
0x9a: {  	[sflag:s10] =	ssyncadd.s32 @!p5 $0xFFFFD800;
	s10 =	simm.s32 @!p5 $0x2800  }
0x9b: {  	[tilespmem:s10], [sflag:$0x8] =	stream.linear.gather @!p5 [hbm4b:s17+s8], $0x50, $0x38;
	[tilespmem:$0x1D980] =	vst v63  }
0x9c: {  	s8 =	sadd.s32 @!p5 $0x140, s20;
	s10 =	simm.s32 @!p5 $0x5100  }
0x9d: {  	[tilespmem:s10], [sflag:$0x2] =	stream.indirect.gather @!p5 [hbm4b:s0+s12], $0x80, s8, s12, $0xb8;
	[tilespmem:$0x1D980] =	vst v63  }
0x9e: {  	s8 =	sadd.s32 @!p5 $0x150, s20;
	s10 =	simm.s32 @!p5 $0x5900  }
0x9f: {  	[tilespmem:s10], [sflag:$0x2] =	stream.indirect.gather @!p5 [hbm4b:s0+s12], $0x80, s8, s12, $0xb8;
	[tilespmem:$0x1D980] =	vst v63  }
0xa0: {  	s8 =	sadd.s32 @!p5 $0x160, s20;
	s10 =	simm.s32 @!p5 $0x6100  }
0xa1: {  	[tilespmem:s10], [sflag:$0x2] =	stream.indirect.gather @!p5 [hbm4b:s0+s12], $0x80, s8, s12, $0xb8;
	[tilespmem:$0x1D980] =	vst v63  }
0xa2: {  	s8 =	sadd.s32 @!p5 $0x170, s20;
	s10 =	simm.s32 @!p5 $0x6900  }
0xa3: {  	[tilespmem:s10], [sflag:$0x2] =	stream.indirect.gather @!p5 [hbm4b:s0+s12], $0x80, s8, s12, $0xb8;
	[tilespmem:$0x1D980] =	vst v63  }
0xa4: {  	s8 =	sadd.s32 @!p5 $0x180, s20;
	s10 =	simm.s32 @!p5 $0x7100  }
0xa5: {  	[tilespmem:s10], [sflag:$0x2] =	stream.indirect.gather @!p5 [hbm4b:s0+s12], $0x80, s8, s12, $0xb8;
	[tilespmem:$0x1D980] =	vst v63  }
0xa6: {  	s8 =	simm.s32 @!p5 $0x3  }
0xa7: {  	_ =	swait.ge @!p5 [sflag:s8], $0x800  }
0xa8: {  	[sflag:s8] =	ssyncset.done @!p5 $0x0  }
0xa9: {  	[sflag:s8] =	ssyncadd.s32 @!p5 $0xFFFFF800  }
0xaa: {  	_ =	swait.ge @!p5 [sflag:s8], $0x800  }
0xab: {  	[sflag:s8] =	ssyncset.done @!p5 $0x0  }
0xac: {  	[sflag:s8] =	ssyncadd.s32 @!p5 $0xFFFFF800  }
0xad: {  	_ =	swait.ge @!p5 [sflag:s8], $0x800  }
0xae: {  	[sflag:s8] =	ssyncset.done @!p5 $0x0  }
0xaf: {  	[sflag:s8] =	ssyncadd.s32 @!p5 $0xFFFFF800  }
0xb0: {  	_ =	swait.ge @!p5 [sflag:s8], $0x800  }
0xb1: {  	[sflag:s8] =	ssyncset.done @!p5 $0x0  }
0xb2: {  	[sflag:s8] =	ssyncadd.s32 @!p5 $0xFFFFF800  }
0xb3: {  	s7 =	sadd.s32 $0x3C0, s7;
	_ =	swait.ge @!p5 [sflag:s8], $0x800  }
0xb4: {  	p0 =	sne.s32 s7, $0x9D80;
	[sflag:s8] =	ssyncset.done @!p5 $0x0  }
.Ltmp3:
0xb5: {  	[sflag:s8] =	ssyncadd.s32 @!p5 $0xFFFFF800;
	s8 =	simm.s32 @!p5 $0x9;
	(pc) =	sbr.rel @!p0 .LBB2_5-.Ltmp3, $4  }
0xb6: {  	s19 =	sadd.s32 $0x3, s19;
	s18 =	sadd.s32 $0x1E, s18;
	_ =	swait.ge @!p5 [sflag:s8], $0x50  }
0xb7: {  	s17 =	sadd.s32 $0x1E, s17;
	s10 =	simm.s32 @!p5 $0x2880;
	[sflag:s8] =	ssyncset.done @!p5 $0x0  }
0xb8: {  	s12 =	simm.s32 @!p5 $0x7900;
	[sflag:s8] =	ssyncadd.s32 @!p5 $0xFFFFFFB0;
	s8 =	simm.s32 @!p5 $0x50  }
0xb9: {  	[spmem:s3] =	stream.indirect.scatter.add.f32 @!p5 [tilespmem:s12], [sflag:$0x6], $0x80, s10, s8, $0xb8;
	[tilespmem:$0x1D980] =	vst v63  }
.LBB2_2:
0xba: {  	p6 =	seq.s32 s7, $0x0  }
0xbb: {  	p5 =	seq.s32 @!p6 s7, $0x99C0  }
0xbc: {  	p0 =	por p6, !p5  }
.Ltmp4:
0xbd: {  	_ = 	snop;
	(pc) =	sbr.rel @!p0 .LBB2_4-.Ltmp4, $4  }
0xbe: {  	s20 =	simm.s32 @!p6 $0x6  }
0xbf: {  	_ =	swait.ge @!p6 [sflag:s20], $0x2800  }
0xc0: {  	[sflag:s20] =	ssyncset.done @!p6 $0x0  }
0xc1: {  	p5 =	por @!p6 $0x1, $0x1;
	[sflag:s20] =	ssyncadd.s32 @!p6 $0xFFFFD800  }
0xc2: {  	s20 =	smov.u32 s19  }
0xc3: {  	s20 =	simm.s32 @p6 $0x2  }
0xc4: {  	s8 =	sadd.s32 s5, s20  }
0xc5: {  	s8 =	smul.u32 $0x50, s8;
	_ =	sdelay $0x1  }
0xc6: {  	s8 =	sshrl.u32 s8, $0x3  }
0xc7: {  	s8 =	sadd.s32 s6, s8  }
0xc8: {  	s20 =	smul.u32 $0x140, s20;
	s8 =	sadd.s32 $0x9C40, s8  }
0xc9: {  	[tilespmem:s9], [sflag:$0x9] =	stream.linear.gather [hbm4b:s8+s4], $0x50, $0x38;
	[tilespmem:$0x1D980] =	vst v63  }
0xca: {  	s10 =	sshra.s32 s20, $0x2  }
0xcb: {  	[tilespmem:s11], [sflag:$0x3] =	stream.indirect.gather [hbm4b:s0+s23], $0x80, s10, s23, $0xb8;
	[tilespmem:$0x1D980] =	vst v63  }
0xcc: {  	s20 =	sadd.s32 $0x10, s10  }
0xcd: {  	[tilespmem:s2], [sflag:$0x3] =	stream.indirect.gather [hbm4b:s0+s23], $0x80, s20, s23, $0xb8;
	[tilespmem:$0x1D980] =	vst v63  }
0xce: {  	s12 =	sadd.s32 $0x20, s10  }
0xcf: {  	[tilespmem:s13], [sflag:$0x3] =	stream.indirect.gather [hbm4b:s0+s23], $0x80, s12, s23, $0xb8;
	[tilespmem:$0x1D980] =	vst v63  }
.Ltmp5:
0xd0: {  	_ = 	snop;
	(pc) =	sbr.rel .LBB2_4-.Ltmp5, $4  }
0xd1: {  	s16 =	sadd.s32 $0x30, s10  }
0xd2: {  	[tilespmem:s14], [sflag:$0x3] =	stream.indirect.gather [hbm4b:s0+s23], $0x80, s16, s23, $0xb8;
	[tilespmem:$0x1D980] =	vst v63  }
0xd3: {  	p5 =	por $0x0, $0x0;
	s8 =	sadd.s32 $0x40, s10  }
0xd4: {  	[tilespmem:s15], [sflag:$0x3] =	stream.indirect.gather [hbm4b:s0+s23], $0x80, s8, s23, $0xb8;
	[tilespmem:$0x1D980] =	vst v63  }
.LBB2_6:
0xd5: {  	_ =	sfence.sel $0x180000  }
0xd6: {  	[bflag:$0x0] =	sbarrier.arrive $0xFFFF  }
0xd7: {  	_ =	strace $0x9000004A  }
0xd8: {  	[bflag:$0x2] =	sbarrier.arrive $0xFFFF  }
0xd9: {  	s1 =	sld [smem:$0x7FD];
	_ =	sdelay $0x2  }
0xda: {  	s0 =	rddreg [dreg:$0x3];
	p0 =	seq.s32 s1, $0x1  }
0xdb: {  	s0 =	sadd.s32 @!p0 $0x100000, s0  }
0xdc: {  	[sflag:s0] =	ssyncadd.tile.s32 @!p0 $0x1;
	_ =	shalt  }
.Lfunc_end2:
_tile_overlayer_lowered:
.L_overlay_start_2:
0xdd: {  	(tag) =	ssettag $0x2  }
0xde: {  	s0 =	rddreg [dreg:$0x0];
	s2 =	stileid.u32  }
0xdf: {  	s1 =	rddreg [dreg:$0x1];
	p0 =	sne.s32 s2, $0x0  }
0xe0: {  	s3 =	rddreg [dreg:$0x2];
	[bflag:$0x3] =	sbarrier.arrive $0xFFFF;
	s2 =	simm.s32 @!p0 $0x1C0A  }
0xe1: {  	[timem:s3], [sflag:s2] =	dma.local @!p0 [hbm:s0], s1  }
0xe2: {  	s0 =	simm.s32 @!p0 $0xA  }
0xe3: {  	_ =	swait.ge @!p0 [sflag:s0], s1  }
0xe4: {  	s1 =	ssub.s32 @!p0 $0x0, s1;
	[sflag:s0] =	ssyncset.done @!p0 $0x0  }
0xe5: {  	[sflag:s0] =	ssyncadd.s32 @!p0 s1  }
0xe6: {  	[bflag:$0x3] =	sbarrier.arrive $0xFFFF  }
0xe7: {  	_ =	shalt  }

// kernel: kernel.7.cloned.1.call-start
scs
__scs_entry_jumppad:
0x0: {  	(pc) =	sbr.rel $0x88, $3  }
0x1: {  	(tag) =	ssettag $0x0;
	lr =	simm.s32 $0x1  }
0x2: {  	[smem:$0x3F9D] =	sst lr;
	_ =	strace $0xD0000000  }
0x3: {  	_ = 	snop  }
0x4: {  	_ = 	snop  }
0x5: {  	_ = 	snop  }
0x6: {  	_ = 	snop  }
0x7: {  	_ = 	snop  }
__scs_overlays_trampoline_lowered:
0x8: {  	[smem:$0x3FAC] =	sst s0  }
0x9: {  	[smem:$0x3FAD] =	sst s1  }
0xa: {  	[smem:$0x3FAE] =	sst s2  }
0xb: {  	[smem:$0x3FAF] =	sst s3  }
0xc: {  	[smem:$0x3FB0] =	sst s4  }
0xd: {  	[smem:$0x3FB1] =	sst s5  }
0xe: {  	[smem:$0x3FB2] =	sst s6  }
0xf: {  	[smem:$0x3FB3] =	sst s7  }
0x10: {  	[smem:$0x3FB4] =	sst s8  }
0x11: {  	[smem:$0x3FB5] =	sst s9;
	s0 =	simm.s32 @!p0 $0x0  }
0x12: {  	s1 =	sld [smem:$0x3F9B];
	s0 =	simm.s32 @p0 $0x1  }
0x13: {  	[smem:$0x3FB6] =	sst s0;
	s0 =	simm.s32 @!p1 $0x0  }
0x14: {  	s2 =	sld [smem:$0x3F9A];
	s0 =	simm.s32 @p1 $0x1  }
0x15: {  	[smem:$0x3FB7] =	sst s0;
	s0 =	simm.s32 @!p2 $0x0  }
0x16: {  	s3 =	sld [smem:$0x3FDB];
	s0 =	simm.s32 @p2 $0x1  }
0x17: {  	s4 =	simm.s32 $0x1BF5;
	[smem:$0x3FB9] =	sst s0  }
0x18: {  	s0 =	sld [smem:$0x3F9C];
	_ =	swait.ge [sflag:s4], $0x0  }
0x19: {  	s7 =	sld [smem:$0x3F9D]  }
0x1a: {  	s8 =	sadd.s32 $0xFFFFE003, lr  }
0x1b: {  	s9 =	sadd.s32 $0xFFFFFEF7, lr;
	s5 =	simm.s32 $0xFFFFFFFF;
	p2 =	slt.u32 s8, $0xFFFFF086  }
0x1c: {  	p1 =	slt.u32 s9, $0xF7A;
	s5 =	simm.s32 @!p2 $0x0  }
0x1d: {  	s5 =	simm.s32 @p1 $0x1;
	p0 =	seq.s32 s7, s2  }
0x1e: {  	s7 =	smul.u32 @!p0 $0xF7A, s2;
	p2 =	seq.s32 @!p0 s5, $0x0  }
0x1f: {  	s9 =	smul.u32 $0xF7A, s1;
	s8 =	simm.s32 @!p0 $0x1BF5;
	p2 =	por !p2, p0  }
0x20: {  	[sflag:s8] =	ssyncset.s32 @!p0 $0xFFFFF086;
	s6 =	sadd.s32 @!p0 s3, s7;
	s7 =	simm.s32 @!p0 $0x108  }
0x21: {  	s3 =	sadd.s32 s3, s9;
	s6 =	sadd.s32 @!p0 $0x88, s6;
	s7 =	simm.s32 @p2 $0x1082  }
0x22: {  	[simem:s7], [sflag:s8] =	dma.local @!p0 [hbm:s6], $0xF7A  }
0x23: {  	s9 =	sor.u32 $0xD0000000, s2;
	s6 =	simm.s32 $0x108;
	_ =	swait.ge @!p0 [sflag:s8], $0x0  }
0x24: {  	s3 =	sadd.s32 $0x88, s3;
	s6 =	simm.s32 @!p1 $0x1082;
	[sflag:s4] =	ssyncset.s32 $0xFFFFF086  }
0x25: {  	[simem:s6], [sflag:s4] =	dma.local [hbm:s3], $0xF7A  }
0x26: {  	[smem:$0x3F9D] =	sst s1;
	(tag) =	ssettag s2;
	_ =	strace s9  }
0x27: {  	s1 =	sld [smem:$0x3FAD]  }
0x28: {  	s2 =	sld [smem:$0x3FAE]  }
0x29: {  	s4 =	sld [smem:$0x3FB0]  }
0x2a: {  	p0 =	seq.s32 s5, $0x0;
	s5 =	sld [smem:$0x3FB1]  }
0x2b: {  	s6 =	sld [smem:$0x3FB2]  }
0x2c: {  	s7 =	sld [smem:$0x3FB3]  }
0x2d: {  	s3 =	simm.s32 $0x108;
	s8 =	sld [smem:$0x3FB4]  }
0x2e: {  	s3 =	simm.s32 @!p0 $0x1082;
	s9 =	sld [smem:$0x3FB5]  }
0x2f: {  	lr =	sadd.s32 s0, s3;
	s0 =	sld [smem:$0x3FAC]  }
0x30: {  	s3 =	sld [smem:$0x3FAF]  }
0x31: {  	[smem:$0x3FB8] =	sst s10  }
0x32: {  	s10 =	sld [smem:$0x3FB6];
	_ =	sdelay $0x3  }
0x33: {  	p0 =	seq.s32 s10, $0x1;
	s10 =	sld [smem:$0x3FB8];
	_ =	sdelay $0x3  }
0x34: {  	[smem:$0x3FB8] =	sst s10  }
0x35: {  	s10 =	sld [smem:$0x3FB7];
	_ =	sdelay $0x3  }
0x36: {  	p1 =	seq.s32 s10, $0x1;
	s10 =	sld [smem:$0x3FB8];
	_ =	sdelay $0x3  }
0x37: {  	[smem:$0x3FB8] =	sst s10  }
0x38: {  	s10 =	sld [smem:$0x3FB9]  }
0x39: {  	_ = 	snop;
	(pc) =	sbr.ind lr, $3  }
0x3a: {  	_ = 	snop  }
0x3b: {  	_ = 	snop  }
0x3c: {  	p2 =	seq.s32 s10, $0x1;
	s10 =	sld [smem:$0x3FB8]  }
0x3d: {  	_ =	shalt  }
0x3e: {  	_ =	shalt  }
0x3f: {  	_ =	shalt  }
0x40: {  	_ =	shalt  }
0x41: {  	_ =	shalt  }
0x42: {  	_ =	shalt  }
0x43: {  	_ =	shalt  }
0x44: {  	_ =	shalt  }
0x45: {  	_ =	shalt  }
0x46: {  	_ =	shalt  }
0x47: {  	_ =	shalt  }
0x48: {  	_ =	shalt  }
0x49: {  	_ =	shalt  }
0x4a: {  	_ =	shalt  }
0x4b: {  	_ =	shalt  }
0x4c: {  	_ =	shalt  }
0x4d: {  	_ =	shalt  }
0x4e: {  	_ =	shalt  }
0x4f: {  	_ =	shalt  }
0x50: {  	_ =	shalt  }
0x51: {  	_ =	shalt  }
0x52: {  	_ =	shalt  }
0x53: {  	_ =	shalt  }
0x54: {  	_ =	shalt  }
0x55: {  	_ =	shalt  }
0x56: {  	_ =	shalt  }
0x57: {  	_ =	shalt  }
0x58: {  	_ =	shalt  }
0x59: {  	_ =	shalt  }
0x5a: {  	_ =	shalt  }
0x5b: {  	_ =	shalt  }
0x5c: {  	_ =	shalt  }
0x5d: {  	_ =	shalt  }
0x5e: {  	_ =	shalt  }
0x5f: {  	_ =	shalt  }
0x60: {  	_ =	shalt  }
0x61: {  	_ =	shalt  }
0x62: {  	_ =	shalt  }
0x63: {  	_ =	shalt  }
0x64: {  	_ =	shalt  }
0x65: {  	_ =	shalt  }
0x66: {  	_ =	shalt  }
0x67: {  	_ =	shalt  }
0x68: {  	_ =	shalt  }
0x69: {  	_ =	shalt  }
0x6a: {  	_ =	shalt  }
0x6b: {  	_ =	shalt  }
0x6c: {  	_ =	shalt  }
0x6d: {  	_ =	shalt  }
0x6e: {  	_ =	shalt  }
0x6f: {  	_ =	shalt  }
0x70: {  	_ =	shalt  }
0x71: {  	_ =	shalt  }
0x72: {  	_ =	shalt  }
0x73: {  	_ =	shalt  }
0x74: {  	_ =	shalt  }
0x75: {  	_ =	shalt  }
0x76: {  	_ =	shalt  }
0x77: {  	_ =	shalt  }
0x78: {  	_ =	shalt  }
0x79: {  	_ =	shalt  }
0x7a: {  	_ =	shalt  }
0x7b: {  	_ =	shalt  }
0x7c: {  	_ =	shalt  }
0x7d: {  	_ =	shalt  }
0x7e: {  	_ =	shalt  }
0x7f: {  	_ =	shalt  }
0x80: {  	_ =	shalt  }
0x81: {  	_ =	shalt  }
0x82: {  	_ =	shalt  }
0x83: {  	_ =	shalt  }
0x84: {  	_ =	shalt  }
0x85: {  	_ =	shalt  }
0x86: {  	_ =	shalt  }
0x87: {  	_ =	shalt  }
.Lfunc_end0:
.L_simem_size_0:
called_computation_lowered:
.L_overlay_start_0:
0x88: {  	s2 =	sld [smem:$0x3FD9]  }
0x89: {  	s3 =	sld [smem:$0x3FFE];
	_ =	sdelay $0x1  }
0x8a: {  	s1 =	srdreg.scid  }
0x8b: {  	s0 =	sand.u32 $0x1, s1  }
0x8c: {  	s17 =	sshll.u32 s0, $0xA;
	s2 =	sadd.s32 s3, s2  }
0x8d: {  	s2 =	sadd.s32 s2, s17  }
0x8e: {  	[smem:$0x3FC4] =	sst s2  }
0x8f: {  	_ = 	snop  }
0x90: {  	s2 =	sld [smem:$0x3FD0];
	(tm) =	ssettm $0x1  }
0x91: {  	s18 =	sld [smem:$0x3FFB];
	_ =	sdelay $0x3  }
0x92: {  	_ =	strace s18  }
0x93: {  	s3 =	sld [smem:$0x3FFC];
	_ =	sdelay $0x3  }
0x94: {  	_ =	strace s3  }
0x95: {  	s3 =	sld [smem:$0x3FFD];
	_ =	sdelay $0x3  }
0x96: {  	_ =	strace s3  }
0x97: {  	_ =	strace $0x8FFFFFFF  }
0x98: {  	s19 =	sld [smem:$0x3FDB];
	_ =	sdelay $0x1  }
0x99: {  	s4 =	simm.s32 $_scs_section_size  }
0x9a: {  	s5 =	simm.s32 $_size__tile_overlayer_lowered;
	s6 =	simm.s32 $_tile_overlayer_lowered  }
0x9b: {  	s22 =	simm.s32 $0x1BFF;
	s21 =	sshll.u32 s6, $0x1;
	s3 =	sadd.s32 s4, s19  }
0x9c: {  	s7 =	simm.s32 $0x0;
	s20 =	sshll.u32 s5, $0x1;
	s5 =	sadd.s32 s21, s3  }
0x9d: {  	[timem:s7], [sflag:s22] =	dma.local [hbm:s5], s20  }
0x9e: {  	_ =	swait.ge [sflag:s22], s20  }
0x9f: {  	s4 =	ssub.s32 $0x0, s20;
	[sflag:s22] =	ssyncset.done $0x0  }
0xa0: {  	[sflag:s22] =	ssyncadd.s32 s4;
	_ =	sdelay $0x1  }
0xa1: {  	s23 =	simm.s32 $0x1B8B  }
0xa2: {  	_ =	swait.ge [sflag:s23], $0x1  }
0xa3: {  	[sflag:s23] =	ssyncset.done $0x0  }
0xa4: {  	s25 =	simm.s32 $0x1B8E;
	s24 =	sld [smem:$0x3FFE];
	[sflag:s23] =	ssyncadd.s32 $0xFFFFFFFF  }
0xa5: {  	s26 =	simm.s32 $execute0_lowered;
	[smem:$0x3FD2] =	sst s25  }
0xa6: {  	s5 =	sshll.u32 s26, $0x1;
	_ =	strace $0x80000046;
	[dreg:$0x1] =	wrdreg $0xFFFFFFFF  }
0xa7: {  	s28 =	simm.s32 $_size_execute0_lowered;
	s3 =	sadd.s32 s3, s5;
	[dreg:$0x0] =	wrdreg $0x0  }
0xa8: {  	s5 =	sshll.u32 s28, $0x1;
	[dreg:$0x2] =	wrdreg s3  }
0xa9: {  	[dreg:$0x3] =	wrdreg s5  }
0xaa: {  	[dreg:$0x4] =	wrdreg $0xC0  }
0xab: {  	_ =	task [dreg:s7], $0x5FFFF  }
0xac: {  	[dreg:$0x1] =	wrdreg $0xFFFFFFFF  }
0xad: {  	[dreg:$0x0] =	wrdreg $0x60  }
0xae: {  	[dreg:$0x2] =	wrdreg s24  }
0xaf: {  	[dreg:$0x3] =	wrdreg s2  }
0xb0: {  	[dreg:$0x4] =	wrdreg $0x29000  }
0xb1: {  	[dreg:$0x5] =	wrdreg $0x9  }
0xb2: {  	_ =	task.clear_ibuf [dreg:s7], $0x6FFFF;
	_ =	strace $0x90000046  }
0xb3: {  	s29 =	simm.s32 $0x9;
	_ =	strace $0x80000048  }
0xb4: {  	_ =	swait.ge [sflag:s29], $0x1  }
0xb5: {  	[sflag:s29] =	ssyncadd.s32 $0xFFFFFFFF  }
0xb6: {  	_ =	strace $0x90000048  }
0xb7: {  	_ =	sfence  }
0xb8: {  	s30 =	sld [smem:$0x0];
	_ =	sdelay $0x2  }
0xb9: {  	s31 =	sshll.u32 s1, $0xD;
	s1 =	sshrl.u32 s1, $0x2  }
0xba: {  	s3 =	sand.u32 $0x4000, s31;
	s1 =	sadd.s32 s1, s30  }
0xbb: {  	s0 =	sor.u32 s3, s0;
	s1 =	sshll.u32 s1, $0x11  }
0xbc: {  	s0 =	sor.u32 s1, s0  }
0xbd: {  	s0 =	sadd.s32 $0x8F2B, s0  }
0xbe: {  	[sflag:s0] =	ssyncadd.remote.s32 $0x1  }
0xbf: {  	_ =	sfence.sel $0xFFFF  }
0xc0: {  	[dreg:$0x0] =	wrdreg $0xFFFFFFFF;
	(pc) =	sbr.abs _section_cstart, $3  }
0xc1: {  	[dreg:$0x1] =	wrdreg $0xFFFFFFFF  }
0xc2: {  	_ =	task.clear_ibuf [dreg:s7], $0x2FFFF;
	_ =	strace $0x9FFFFFFF  }
0xc3: {  	(tm) =	ssettm $0x7FFFFFFF  }
tec
execute0_lowered:
.L_overlay_start_1:
0x0: {  	(tag) =	ssettag $0x1  }
0x1: {  	s6 =	rddreg [dreg:$0x0];
	s1 =	srdreg.scid  }
0x2: {  	s0 =	rddreg [dreg:$0x1];
	s7 =	stileid.u32  }
0x3: {  	s2 =	rddreg [dreg:$0x2];
	s3 =	simm.s32 $0x0;
	s10 =	simm.s32 $0x16400  }
0x4: {  	s11 =	simm.s32 $0x2880;
	s12 =	simm.s32 $0x2800;
	s13 =	simm.s32 $0x1  }
0x5: {  	s14 =	simm.s32 $0x2;
	s4 =	sand.u32 $0x1, s1;
	s1 =	rddreg [dreg:$0x3]  }
0x6: {  	s15 =	simm.s32 $0x0;
	s8 =	smul.u32 $0x2710, s7;
	[smem:$0x7FF] =	sst s3  }
0x7: {  	s5 =	smul.u32 $0x27100, s4;
	s9 =	ssub.s32 $0x2, s4;
	p0 =	seq.s32 s4, $0x1  }
0x8: {  	_ =	strace $0x80000047;
	s31 =	sshrl.u32 s9, $0x1;
	s10 =	simm.s32 @!p0 $0x15E00  }
0x9: {  	p0 =	sne.s32 s7, $0x0;
	s5 =	sadd.s32 s8, s5;
	s8 =	ssub.s32 s9, s31  }
0xa: {  	s7 =	sshrl.u32 @!p0 s2, $0x3;
	s9 =	simm.s32 $0x50;
	s5 =	sshrl.u32 s5, $0x3  }
0xb: {  	s5 =	sadd.s32 s6, s5;
	s6 =	sadd.s32 s10, s6;
	s10 =	simm.s32 $0x2780  }
0xc: {  	v0 =	vimm.f32 $1.000000000e+00;
	s4 =	sadd.s32 $0xC040, s5;
	s5 =	smax.u32 s8, $0x1;
	s8 =	simm.s32 $0x3  }
.LBB2_1:
0xd: {  	[tilespmem:$0x2880] =	vst v0  }
0xe: {  	[tilespmem:$0x2890] =	vst v0  }
0xf: {  	[tilespmem:$0x28A0] =	vst v0  }
0x10: {  	[tilespmem:$0x28B0] =	vst v0  }
0x11: {  	[tilespmem:$0x28C0] =	vst v0;
	s16 =	simm.s32 @!p0 $0x1C03  }
0x12: {  	[spmem:s7], [sflag:s16] =	dma.local @!p0 [hbm:s0], $0x4F0  }
0x13: {  	s16 =	simm.s32 @!p0 $0x3  }
0x14: {  	_ =	swait.ge @!p0 [sflag:s16], $0x4F0  }
0x15: {  	[sflag:s16] =	ssyncset.done @!p0 $0x0  }
0x16: {  	[sflag:s16] =	ssyncadd.s32 @!p0 $0xFFFFFB10  }
0x17: {  	[tilespmem:s3], [sflag:$0x3] =	stream.linear.gather [hbm4b:s4+s3], $0x2710, $0x38;
	[tilespmem:$0x2B78] =	vst v63  }
0x18: {  	_ =	swait.ge [sflag:s8], $0x2710  }
0x19: {  	[sflag:s8] =	ssyncset.done $0x0  }
0x1a: {  	[sflag:s8] =	ssyncadd.s32 $0xFFFFD8F0  }
0x1b: {  	[bflag:$0x0] =	sbarrier.arrive $0xFFFF  }
0x1c: {  	v1 =	vld [tilespmem:$0x0]  }
0x1d: {  	v2 =	vld [tilespmem:$0x10]  }
0x1e: {  	v3 =	vld [tilespmem:$0x20]  }
0x1f: {  	v4 =	vld [tilespmem:$0x30]  }
0x20: {  	v5 =	vld [tilespmem:$0x40]  }
0x21: {  	[tilespmem:$0x2780] =	vst v1  }
0x22: {  	[tilespmem:$0x2790] =	vst v2  }
0x23: {  	[tilespmem:$0x27A0] =	vst v3  }
0x24: {  	[tilespmem:$0x27B0] =	vst v4  }
0x25: {  	[tilespmem:$0x27C0] =	vst v5  }
0x26: {  	[spmem:s2] =	stream.indirect.scatter.add.f32 [tilespmem:s11], [sflag:$0x1], $0x1, s10, s9, $0xb8;
	[tilespmem:$0x2B78] =	vst v63  }
0x27: {  	v1 =	vld [tilespmem:$0x50]  }
0x28: {  	v2 =	vld [tilespmem:$0x60]  }
0x29: {  	v3 =	vld [tilespmem:$0x70]  }
0x2a: {  	v62 =	vld [tilespmem:$0x80]  }
0x2b: {  	v63 =	vld [tilespmem:$0x90]  }
0x2c: {  	[tilespmem:$0x2800] =	vst v1  }
0x2d: {  	[tilespmem:$0x2810] =	vst v2  }
0x2e: {  	[tilespmem:$0x2820] =	vst v3  }
0x2f: {  	[tilespmem:$0x2830] =	vst v62  }
0x30: {  	[tilespmem:$0x2840] =	vst v63  }
0x31: {  	[spmem:s2] =	stream.indirect.scatter.add.f32 [tilespmem:s11], [sflag:$0x2], $0x1, s12, s9, $0xb8;
	[tilespmem:$0x2B78] =	vst v63  }
0x32: {  	_ =	swait.ge [sflag:s13], $0x50  }
0x33: {  	[sflag:s13] =	ssyncset.done $0x0  }
0x34: {  	s31 =	simm.s32 $0x0;
	[sflag:s13] =	ssyncadd.s32 $0xFFFFFFB0  }
0x35: {  	v1 =	vld [tilespmem:s31+$0xA0];
	_ =	sdelay $0x4  }
0x36: {  	[tilespmem:$0x2780] =	vst v1  }
0x37: {  	v1 =	vld [tilespmem:s31+$0xB0];
	_ =	sdelay $0x4  }
0x38: {  	[tilespmem:$0x2790] =	vst v1  }
0x39: {  	v1 =	vld [tilespmem:s31+$0xC0];
	_ =	sdelay $0x4  }
0x3a: {  	[tilespmem:$0x27A0] =	vst v1  }
0x3b: {  	v1 =	vld [tilespmem:s31+$0xD0];
	_ =	sdelay $0x4  }
0x3c: {  	[tilespmem:$0x27B0] =	vst v1  }
0x3d: {  	v1 =	vld [tilespmem:s31+$0xE0];
	_ =	sdelay $0x4  }
0x3e: {  	[tilespmem:$0x27C0] =	vst v1  }
0x3f: {  	[spmem:s2] =	stream.indirect.scatter.add.f32 [tilespmem:s11], [sflag:$0x1], $0x1, s10, s9, $0xb8;
	[tilespmem:$0x2B78] =	vst v63  }
0x40: {  	_ =	swait.ge [sflag:s14], $0x50  }
0x41: {  	[sflag:s14] =	ssyncset.done $0x0  }
0x42: {  	[sflag:s14] =	ssyncadd.s32 $0xFFFFFFB0  }
0x43: {  	v1 =	vld [tilespmem:s31+$0xF0];
	_ =	sdelay $0x4  }
0x44: {  	[tilespmem:$0x2800] =	vst v1  }
0x45: {  	v1 =	vld [tilespmem:s31+$0x100];
	_ =	sdelay $0x4  }
0x46: {  	[tilespmem:$0x2810] =	vst v1  }
0x47: {  	v1 =	vld [tilespmem:s31+$0x110];
	_ =	sdelay $0x4  }
0x48: {  	[tilespmem:$0x2820] =	vst v1  }
0x49: {  	v1 =	vld [tilespmem:s31+$0x120];
	_ =	sdelay $0x4  }
0x4a: {  	[tilespmem:$0x2830] =	vst v1  }
0x4b: {  	v1 =	vld [tilespmem:s31+$0x130];
	_ =	sdelay $0x4  }
0x4c: {  	s16 =	simm.s32 $0x280;
	[tilespmem:$0x2840] =	vst v1  }
.LBB2_2:
0x4d: {  	[spmem:s2] =	stream.indirect.scatter.add.f32 [tilespmem:s11], [sflag:$0x2], $0x1, s12, s9, $0xb8;
	[tilespmem:$0x2B78] =	vst v63  }
0x4e: {  	s17 =	smov.u32 s16;
	s16 =	sadd.s32 $0x280, s16;
	_ =	swait.ge [sflag:s13], $0x50  }
0x4f: {  	p1 =	sne.s32 s16, $0x9880;
	[sflag:s13] =	ssyncset.done $0x0  }
0x50: {  	s17 =	sshra.s32 s17, $0x2;
	[sflag:s13] =	ssyncadd.s32 $0xFFFFFFB0  }
0x51: {  	v1 =	vld [tilespmem:s17+$0xA0];
	_ =	sdelay $0x4  }
0x52: {  	[tilespmem:$0x2780] =	vst v1  }
0x53: {  	v1 =	vld [tilespmem:s17+$0xB0];
	_ =	sdelay $0x4  }
0x54: {  	[tilespmem:$0x2790] =	vst v1  }
0x55: {  	v1 =	vld [tilespmem:s17+$0xC0];
	_ =	sdelay $0x4  }
0x56: {  	[tilespmem:$0x27A0] =	vst v1  }
0x57: {  	v1 =	vld [tilespmem:s17+$0xD0];
	_ =	sdelay $0x4  }
0x58: {  	[tilespmem:$0x27B0] =	vst v1  }
0x59: {  	v1 =	vld [tilespmem:s17+$0xE0];
	_ =	sdelay $0x4  }
0x5a: {  	[tilespmem:$0x27C0] =	vst v1  }
0x5b: {  	[spmem:s2] =	stream.indirect.scatter.add.f32 [tilespmem:s11], [sflag:$0x1], $0x1, s10, s9, $0xb8;
	[tilespmem:$0x2B78] =	vst v63  }
0x5c: {  	_ =	swait.ge [sflag:s14], $0x50  }
0x5d: {  	[sflag:s14] =	ssyncset.done $0x0  }
0x5e: {  	[sflag:s14] =	ssyncadd.s32 $0xFFFFFFB0  }
0x5f: {  	v1 =	vld [tilespmem:s17+$0xF0];
	_ =	sdelay $0x4  }
0x60: {  	[tilespmem:$0x2800] =	vst v1  }
0x61: {  	v1 =	vld [tilespmem:s17+$0x100];
	_ =	sdelay $0x4  }
0x62: {  	[tilespmem:$0x2810] =	vst v1  }
0x63: {  	v1 =	vld [tilespmem:s17+$0x110];
	_ =	sdelay $0x4  }
0x64: {  	[tilespmem:$0x2820] =	vst v1  }
0x65: {  	v1 =	vld [tilespmem:s17+$0x120];
	_ =	sdelay $0x4  }
0x66: {  	[tilespmem:$0x2830] =	vst v1  }
0x67: {  	v1 =	vld [tilespmem:s17+$0x130]  }
.Ltmp0:
0x68: {  	(pc) =	sbr.rel @p1 .LBB2_2-.Ltmp0, $2  }
0x69: {  	_ =	sdelay $0x2  }
0x6a: {  	[tilespmem:$0x2840] =	vst v1  }
0x6b: {  	[spmem:s2] =	stream.indirect.scatter.add.f32 [tilespmem:s11], [sflag:$0x2], $0x1, s12, s9, $0xb8;
	[tilespmem:$0x2B78] =	vst v63  }
0x6c: {  	_ =	swait.ge [sflag:s13], $0x50  }
0x6d: {  	[sflag:s13] =	ssyncset.done $0x0  }
0x6e: {  	s16 =	sshra.s32 s16, $0x2;
	[sflag:s13] =	ssyncadd.s32 $0xFFFFFFB0  }
0x6f: {  	v1 =	vld [tilespmem:s16+$0xA0];
	_ =	sdelay $0x4  }
0x70: {  	[tilespmem:$0x2780] =	vst v1  }
0x71: {  	v1 =	vld [tilespmem:s16+$0xB0];
	_ =	sdelay $0x4  }
0x72: {  	[tilespmem:$0x2790] =	vst v1  }
0x73: {  	v1 =	vld [tilespmem:s16+$0xC0];
	_ =	sdelay $0x4  }
0x74: {  	[tilespmem:$0x27A0] =	vst v1  }
0x75: {  	v1 =	vld [tilespmem:s16+$0xD0];
	_ =	sdelay $0x4  }
0x76: {  	[tilespmem:$0x27B0] =	vst v1  }
0x77: {  	v1 =	vld [tilespmem:s16+$0xE0];
	_ =	sdelay $0x4  }
0x78: {  	[tilespmem:$0x27C0] =	vst v1  }
0x79: {  	[spmem:s2] =	stream.indirect.scatter.add.f32 [tilespmem:s11], [sflag:$0x1], $0x1, s10, s9, $0xb8;
	[tilespmem:$0x2B78] =	vst v63  }
0x7a: {  	_ =	swait.ge [sflag:s13], $0x50  }
0x7b: {  	[sflag:s13] =	ssyncset.done $0x0  }
0x7c: {  	[sflag:s13] =	ssyncadd.s32 $0xFFFFFFB0  }
0x7d: {  	_ =	swait.ge [sflag:s14], $0x50  }
0x7e: {  	[sflag:s14] =	ssyncset.done $0x0  }
0x7f: {  	s15 =	sadd.s32 $0x1, s15;
	[sflag:s14] =	ssyncadd.s32 $0xFFFFFFB0  }
0x80: {  	p1 =	sne.s32 s15, s5;
	s16 =	simm.s32 @!p0 $0x1C03;
	[bflag:$0x0] =	sbarrier.arrive $0xFFFF  }
0x81: {  	[hbm:s6], [sflag:s16] =	dma.local @!p0 [spmem:s7], $0x4F0  }
.Ltmp1:
0x82: {  	_ = 	snop;
	(pc) =	sbr.rel @p1 .LBB2_1-.Ltmp1, $4  }
0x83: {  	s16 =	simm.s32 @!p0 $0x3  }
0x84: {  	_ =	swait.ge @!p0 [sflag:s16], $0x4F0  }
0x85: {  	[sflag:s16] =	ssyncset.done @!p0 $0x0  }
0x86: {  	[sflag:s16] =	ssyncadd.s32 @!p0 $0xFFFFFB10  }
0x87: {  	_ =	sfence.sel $0x180000  }
0x88: {  	[bflag:$0x0] =	sbarrier.arrive $0xFFFF  }
0x89: {  	_ =	strace $0x90000047  }
0x8a: {  	s0 =	sadd.s32 @!p0 $0x100000, s1;
	[bflag:$0x2] =	sbarrier.arrive $0xFFFF  }
0x8b: {  	[sflag:s0] =	ssyncadd.tile.s32 @!p0 $0x1;
	_ =	shalt  }
.Lfunc_end2:
_tile_overlayer_lowered:
.L_overlay_start_2:
0x8c: {  	(tag) =	ssettag $0x2  }
0x8d: {  	s0 =	rddreg [dreg:$0x0];
	s2 =	stileid.u32  }
0x8e: {  	s1 =	rddreg [dreg:$0x1];
	p0 =	sne.s32 s2, $0x0  }
0x8f: {  	s3 =	rddreg [dreg:$0x2];
	[bflag:$0x3] =	sbarrier.arrive $0xFFFF;
	s2 =	simm.s32 @!p0 $0x1C03  }
0x90: {  	[timem:s3], [sflag:s2] =	dma.local @!p0 [hbm:s0], s1  }
0x91: {  	s0 =	simm.s32 @!p0 $0x3  }
0x92: {  	_ =	swait.ge @!p0 [sflag:s0], s1  }
0x93: {  	s1 =	ssub.s32 @!p0 $0x0, s1;
	[sflag:s0] =	ssyncset.done @!p0 $0x0  }
0x94: {  	[sflag:s0] =	ssyncadd.s32 @!p0 s1  }
0x95: {  	[bflag:$0x3] =	sbarrier.arrive $0xFFFF  }
0x96: {  	_ =	shalt  }

</sc_bundles>
